<compile_context>
chip_gen: v7x
topology: tpu7x:2x2x1
jax: 0.10.2.dev20260603
libtpu: 0.0.44.dev20260713+nightly
codegen_flags: <defaults>
</compile_context>

<pallas_src>
import functools

import jax
import jax.numpy as jnp
from jax.experimental import pallas as pl
from jax.experimental.pallas import tpu as pltpu
from jax.experimental.pallas import tpu_sc as plsc

D = 1024
E = 8
H = 1792
N = 2048
NK = 2 * N
BT = 256
NB = NK // BT + E
SLOTS = NB * BT
NC = 2
NS = 16
NW = NC * NS
CH = NK // NW


def _cumsum_lanes(a):
    n = a.shape[1]
    k = 1
    while k < n:
        z = jnp.zeros((a.shape[0], k), a.dtype)
        a = a + jnp.concatenate([z, a[:, :n - k]], axis=1)
        k *= 2
    return a


def _excl_cumsum_sublanes(a):
    inc = a
    k = 1
    while k < a.shape[0]:
        z = jnp.zeros((k, a.shape[1]), a.dtype)
        inc = inc + jnp.concatenate([z, inc[:a.shape[0] - k]], axis=0)
        k *= 2
    return inc - a


def _router_kernel(lt_ref, pos_ref, w_ref, bexp_ref, psum_ref):
    lt = lt_ref[...]
    si = jax.lax.broadcasted_iota(jnp.int32, lt.shape, 0)
    m1 = jnp.max(lt, axis=0, keepdims=True)
    a1 = jnp.min(jnp.where(lt == m1, si, E), axis=0, keepdims=True)
    masked = jnp.where(si == a1, -jnp.inf, lt)
    m2 = jnp.max(masked, axis=0, keepdims=True)
    a2 = jnp.min(jnp.where(masked == m2, si, E), axis=0, keepdims=True)
    w1 = jax.nn.sigmoid(m1 - m2)

    o1 = (si == a1).astype(jnp.float32)
    o2 = (si == a2).astype(jnp.float32)
    c1 = _cumsum_lanes(o1)
    c2 = _cumsum_lanes(o2)
    cnt1 = c1[:, -1:]
    counts = cnt1 + c2[:, -1:]
    pc = jnp.ceil(counts * (1.0 / BT)) * BT
    pco = _excl_cumsum_sublanes(pc)
    rank1 = c1 - o1
    rank2 = cnt1 + c2 - o2
    pos1 = jnp.sum(o1 * (pco + rank1), axis=0, keepdims=True)
    pos2 = jnp.sum(o2 * (pco + rank2), axis=0, keepdims=True)
    pos_ref[...] = jnp.concatenate([pos1, pos2], axis=0).astype(jnp.int32)
    w_ref[...] = jnp.concatenate([w1, 1.0 - w1], axis=0)

    pend = pco + pc
    bstart = jax.lax.broadcasted_iota(
        jnp.int32, (E, NB), 1).astype(jnp.float32) * float(BT)
    bexp = jnp.sum((bstart >= pend).astype(jnp.float32),
                   axis=0, keepdims=True)
    bexp_ref[...] = jnp.minimum(bexp, E - 1.0).astype(jnp.int32)[0:1]

    ex = jnp.exp(lt - m1)
    p = ex / jnp.sum(ex, axis=0, keepdims=True)
    psum_ref[...] = jnp.sum(p, axis=1, keepdims=True)


@functools.lru_cache(maxsize=1)
def _make_sc_kernels():
    mesh = plsc.VectorSubcoreMesh(core_axis_name="c", subcore_axis_name="s",
                                  num_cores=NC, num_subcores=NS)

    HC = CH // 2

    @functools.partial(
        pl.kernel,
        out_type=jax.ShapeDtypeStruct((SLOTS, D), jnp.float32),
        mesh=mesh,
        scratch_types=[pltpu.VMEM((HC,), jnp.int32),
                       pltpu.VMEM((HC,), jnp.int32),
                       pltpu.VMEM((HC, D), jnp.float32),
                       pltpu.SemaphoreType.DMA],
    )
    def sc_dispatch(x_hbm, pos_hbm, xg_hbm, idx_a, idx_b, rows_v, sem):
        wid = jax.lax.axis_index("s") * NC + jax.lax.axis_index("c")
        base = wid * CH
        tok = jax.lax.rem(base, N)
        pltpu.sync_copy(pos_hbm.at[pl.ds(base, HC)], idx_a)
        pltpu.sync_copy(pos_hbm.at[pl.ds(base + HC, HC)], idx_b)
        pltpu.sync_copy(x_hbm.at[pl.ds(tok, HC)], rows_v)
        pltpu.async_copy(rows_v, xg_hbm.at[idx_a], sem).wait()
        pltpu.sync_copy(x_hbm.at[pl.ds(tok + HC, HC)], rows_v)
        pltpu.async_copy(rows_v, xg_hbm.at[idx_b], sem).wait()

    @functools.partial(
        pl.kernel,
        out_type=jax.ShapeDtypeStruct((NK, D), jnp.float32),
        mesh=mesh,
        scratch_types=[pltpu.VMEM((HC,), jnp.int32),
                       pltpu.VMEM((HC,), jnp.int32),
                       pltpu.VMEM((HC, D), jnp.float32),
                       pltpu.SemaphoreType.DMA],
    )
    def sc_combine(ygw_hbm, pos_hbm, g_hbm, idx_a, idx_b, rows_v, sem):
        wid = jax.lax.axis_index("s") * NC + jax.lax.axis_index("c")
        base = wid * CH
        pltpu.sync_copy(pos_hbm.at[pl.ds(base, HC)], idx_a)
        pltpu.sync_copy(pos_hbm.at[pl.ds(base + HC, HC)], idx_b)
        pltpu.async_copy(ygw_hbm.at[idx_a], rows_v, sem).wait()
        pltpu.sync_copy(rows_v, g_hbm.at[pl.ds(base, HC)])
        pltpu.async_copy(ygw_hbm.at[idx_b], rows_v, sem).wait()
        pltpu.sync_copy(rows_v, g_hbm.at[pl.ds(base + HC, HC)])

    return sc_dispatch, sc_combine


def _expert_kernel(bexp_ref, xg_ref, wg_ref, wu_ref, wd_ref, yg_ref):
    del bexp_ref
    xb = xg_ref[...].astype(jnp.bfloat16)
    g = jax.lax.dot_general(
        xb, wg_ref[0],
        dimension_numbers=(((1,), (1,)), ((), ())),
        preferred_element_type=jnp.float32)
    u = jax.lax.dot_general(
        xb, wu_ref[0],
        dimension_numbers=(((1,), (1,)), ((), ())),
        preferred_element_type=jnp.float32)
    h = (g * jax.nn.sigmoid(g) * u).astype(jnp.bfloat16)
    y = jax.lax.dot_general(
        h, wd_ref[0],
        dimension_numbers=(((1,), (1,)), ((), ())),
        preferred_element_type=jnp.float32)
    yg_ref[...] = y


def _add_kernel(g0_ref, g1_ref, w_ref, out_ref):
    w = w_ref[...]
    out_ref[...] = g0_ref[...] * w[:, 0:1] + g1_ref[...] * w[:, 1:2]


@jax.jit
def kernel(x, gate_w, w_gate, w_up, w_down):
    Bb, Ss, _ = x.shape
    x_flat = x.reshape(N, D)
    xb_g, gw_g = jax.lax.optimization_barrier(
        (x_flat.astype(jnp.bfloat16), gate_w.astype(jnp.bfloat16)))
    logits = jax.lax.optimization_barrier(
        xb_g @ gw_g.T).astype(jnp.float32)

    pos2, w2, bexp, psum = pl.pallas_call(
        _router_kernel,
        out_shape=[
            jax.ShapeDtypeStruct((2, N), jnp.int32),
            jax.ShapeDtypeStruct((2, N), jnp.float32),
            jax.ShapeDtypeStruct((1, NB), jnp.int32),
            jax.ShapeDtypeStruct((E, 1), jnp.float32),
        ],
    )(logits.T)

    pos_flat = pos2.reshape(NK)
    sc_dispatch, sc_combine = _make_sc_kernels()
    xg = sc_dispatch(x_flat, pos_flat)

    wg_bf = w_gate.astype(jnp.bfloat16)
    wu_bf = w_up.astype(jnp.bfloat16)
    wd_bf = w_down.astype(jnp.bfloat16)
    grid_spec = pltpu.PrefetchScalarGridSpec(
        num_scalar_prefetch=1,
        grid=(NB,),
        in_specs=[
            pl.BlockSpec((BT, D), lambda b, t: (b, 0)),
            pl.BlockSpec((1, H, D), lambda b, t: (t[b], 0, 0)),
            pl.BlockSpec((1, H, D), lambda b, t: (t[b], 0, 0)),
            pl.BlockSpec((1, D, H), lambda b, t: (t[b], 0, 0)),
        ],
        out_specs=pl.BlockSpec((BT, D), lambda b, t: (b, 0)),
    )
    yg = pl.pallas_call(
        _expert_kernel,
        grid_spec=grid_spec,
        out_shape=jax.ShapeDtypeStruct((SLOTS, D), jnp.float32),
    )(bexp.reshape(NB), xg, wg_bf, wu_bf, wd_bf)

    g = sc_combine(yg, pos_flat)

    BTA = 512
    out = pl.pallas_call(
        _add_kernel,
        grid=(N // BTA,),
        in_specs=[
            pl.BlockSpec((BTA, D), lambda t: (t, 0)),
            pl.BlockSpec((BTA, D), lambda t: (t + N // BTA, 0)),
            pl.BlockSpec((BTA, 2), lambda t: (t, 0)),
        ],
        out_specs=pl.BlockSpec((BTA, D), lambda t: (t, 0)),
        out_shape=jax.ShapeDtypeStruct((N, D), jnp.float32),
    )(g, g, w2.T)

    probs_mean = psum[:, 0] / N
    loss = E * jnp.sum(probs_mean ** 2)
    return out.reshape(Bb, Ss, D), loss, probs_mean

# --- scband reference (transcript-rebuilt; emitter-appended) ---
"""Pipeline reference for scband-optimized-mo-elayer-57655640982113 (READ-ONLY COPY).

The authoritative reference and input builder live on the scoring server;
editing this copy changes nothing except your own understanding.
"""

import jax, jax.numpy as jnp
import numpy as np

EMBED_DIM = 1024
NUM_EXPERTS = 8
TOP_K = 2
# hidden_dim = int(1024 * 5/3) = 1706 rounded up to multiple of 256 -> 1792
HIDDEN_DIM = 1792
B = 1
S = 2048


def setup_inputs(seed: int = 0) -> dict:
    key = jax.random.key(seed)
    ks = jax.random.split(key, 5)
    x = jax.random.normal(ks[0], (B, S, EMBED_DIM), dtype=jnp.float32)
    gate_w = jax.random.normal(ks[1], (NUM_EXPERTS, EMBED_DIM), dtype=jnp.float32) * 0.02
    w_gate = jax.random.normal(ks[2], (NUM_EXPERTS, HIDDEN_DIM, EMBED_DIM), dtype=jnp.float32) * 0.02
    w_up = jax.random.normal(ks[3], (NUM_EXPERTS, HIDDEN_DIM, EMBED_DIM), dtype=jnp.float32) * 0.02
    w_down = jax.random.normal(ks[4], (NUM_EXPERTS, EMBED_DIM, HIDDEN_DIM), dtype=jnp.float32) * 0.02
    return {"x": x, "gate_w": gate_w, "w_gate": w_gate, "w_up": w_up, "w_down": w_down}


def reference(x, gate_w, w_gate, w_up, w_down):
    Bb, Ss, D = x.shape
    x_flat = x.reshape(-1, D)
    # gate in bf16 (autocast), then .float()
    logits = (x_flat.astype(jnp.bfloat16) @ gate_w.astype(jnp.bfloat16).T).astype(jnp.float32)
    topk_weights, topk_indices = jax.lax.top_k(logits, TOP_K)
    topk_weights = jax.nn.softmax(topk_weights, axis=-1)
    probs = jax.nn.softmax(logits, axis=-1)
    load_balance_loss = NUM_EXPERTS * jnp.sum(jnp.mean(probs, axis=0) ** 2)
    # dense per-expert SwiGLU; mathematically identical to the sorted dispatch
    h_gate = jnp.einsum('nd,ehd->neh', x_flat, w_gate)
    h_up = jnp.einsum('nd,ehd->neh', x_flat, w_up)
    h = jax.nn.silu(h_gate) * h_up
    y = jnp.einsum('neh,edh->ned', h, w_down)  # [N, E, D]
    sel = jnp.take_along_axis(y, topk_indices[:, :, None], axis=1)  # [N, K, D]
    out_flat = jnp.sum(sel * topk_weights[:, :, None], axis=1)
    return out_flat.reshape(Bb, Ss, D), load_balance_loss, jnp.mean(probs, axis=0)

if __name__ == "__main__":
    import jax
    _d = setup_inputs()
    print(jax.jit(kernel)(*tuple(_d.values())))

</pallas_src>

<mosaic_0001>
#map = affine_map<(d0, d1) -> (0, 0)>
#map1 = affine_map<(d0, d1) -> (0)>
module attributes {stable_mosaic.version = 14 : i64} {
  func.func @sc_combine(%arg0: i32, %arg1: i32, %arg2: memref<6144x1024xf32, #tpu.memory_space<hbm>>, %arg3: memref<4096xi32, #tpu.memory_space<hbm>>, %arg4: memref<4096x1024xf32, #tpu.memory_space<hbm>>, %arg5: memref<64xi32, #tpu.memory_space<vmem>>, %arg6: memref<64xi32, #tpu.memory_space<vmem>>, %arg7: memref<64x1024xf32, #tpu.memory_space<vmem>>, %arg8: memref<!tpu.dma_semaphore, #tpu.memory_space<semaphore_mem>>) attributes {dimension_semantics = [#tpu.dimension_semantics<core_parallel>, #tpu.dimension_semantics<subcore_parallel>], iteration_bounds = array<i64: 2, 16>, scalar_prefetch = 0 : i64, scratch_operands = 4 : i64, tpu.core_type = #tpu.core_type<sc_vector_subcore>, window_params = [{transform_indices = #map}, {transform_indices = #map1}, {transform_indices = #map}]} {
    %mul3A = arith.constant 2 : i32
    %mul3A_0 = arith.muli %arg1, %mul3A : i32
    %add3A = arith.addi %mul3A_0, %arg0 : i32
    %mul3A_1 = arith.constant 128 : i32
    %mul3A_2 = arith.muli %add3A, %mul3A_1 : i32
    "tpu.region"() ({
      %run_scoped3A = tpu.sem_alloc : memref<!tpu.dma_semaphore, #tpu.memory_space<semaphore_mem>>
      %dma_start3A_17 = tpu.memref_slice %arg3[%mul3A_2] : memref<4096xi32, #tpu.memory_space<hbm>> -> memref<64xi32, #tpu.memory_space<hbm>>
      %dma_start3A_18 = tpu.memref_slice %arg3[%mul3A_2] : memref<4096xi32, #tpu.memory_space<hbm>> -> memref<64xi32, #tpu.memory_space<hbm>>
      tpu.enqueue_dma source(%dma_start3A_18 : memref<64xi32, #tpu.memory_space<hbm>>) target(%arg5 : memref<64xi32, #tpu.memory_space<vmem>>) target_semaphore(%run_scoped3A : memref<!tpu.dma_semaphore, #tpu.memory_space<semaphore_mem>>)
      %dma_wait3A_19 = tpu.memref_slice %arg3[%mul3A_2] : memref<4096xi32, #tpu.memory_space<hbm>> -> memref<64xi32, #tpu.memory_space<hbm>>
      %dma_wait3A_20 = tpu.memref_slice %arg3[%mul3A_2] : memref<4096xi32, #tpu.memory_space<hbm>> -> memref<64xi32, #tpu.memory_space<hbm>>
      tpu.wait_dma2 semaphore(%run_scoped3A : memref<!tpu.dma_semaphore, #tpu.memory_space<semaphore_mem>>) src(%dma_wait3A_20 : memref<64xi32, #tpu.memory_space<hbm>>) dst(%arg5 : memref<64xi32, #tpu.memory_space<vmem>>)
      tpu.yield
    }) : () -> ()
    %add3A_3 = arith.constant 64 : i32
    %add3A_4 = arith.addi %mul3A_2, %add3A_3 : i32
    "tpu.region"() ({
      %run_scoped3A = tpu.sem_alloc : memref<!tpu.dma_semaphore, #tpu.memory_space<semaphore_mem>>
      %dma_start3A_17 = tpu.memref_slice %arg3[%add3A_4] : memref<4096xi32, #tpu.memory_space<hbm>> -> memref<64xi32, #tpu.memory_space<hbm>>
      %dma_start3A_18 = tpu.memref_slice %arg3[%add3A_4] : memref<4096xi32, #tpu.memory_space<hbm>> -> memref<64xi32, #tpu.memory_space<hbm>>
      tpu.enqueue_dma source(%dma_start3A_18 : memref<64xi32, #tpu.memory_space<hbm>>) target(%arg6 : memref<64xi32, #tpu.memory_space<vmem>>) target_semaphore(%run_scoped3A : memref<!tpu.dma_semaphore, #tpu.memory_space<semaphore_mem>>)
      %dma_wait3A_19 = tpu.memref_slice %arg3[%add3A_4] : memref<4096xi32, #tpu.memory_space<hbm>> -> memref<64xi32, #tpu.memory_space<hbm>>
      %dma_wait3A_20 = tpu.memref_slice %arg3[%add3A_4] : memref<4096xi32, #tpu.memory_space<hbm>> -> memref<64xi32, #tpu.memory_space<hbm>>
      tpu.wait_dma2 semaphore(%run_scoped3A : memref<!tpu.dma_semaphore, #tpu.memory_space<semaphore_mem>>) src(%dma_wait3A_20 : memref<64xi32, #tpu.memory_space<hbm>>) dst(%arg6 : memref<64xi32, #tpu.memory_space<vmem>>)
      tpu.yield
    }) : () -> ()
    %dma_start3A = arith.constant 0 : i32
    %dma_start3A_5 = arith.constant 0 : i32
    %dma_start3A_6 = tpu.memref_slice %arg2[%dma_start3A, %dma_start3A_5] : memref<6144x1024xf32, #tpu.memory_space<hbm>> -> memref<6144x1024xf32, #tpu.memory_space<hbm>>
    tpu.enqueue_indirect_dma source(%dma_start3A_6 : memref<6144x1024xf32, #tpu.memory_space<hbm>>) target(%arg7 : memref<64x1024xf32, #tpu.memory_space<vmem>>) offsets(%arg5 : memref<64xi32, #tpu.memory_space<vmem>>) semaphore(%arg8 : memref<!tpu.dma_semaphore, #tpu.memory_space<semaphore_mem>>)
    %dma_wait3A = arith.constant 0 : i32
    %dma_wait3A_7 = arith.constant 0 : i32
    %dma_wait3A_8 = tpu.memref_slice %arg2[%dma_wait3A, %dma_wait3A_7] : memref<6144x1024xf32, #tpu.memory_space<hbm>> -> memref<6144x1024xf32, #tpu.memory_space<hbm>>
    tpu.wait_indirect_dma semaphore(%arg8 : memref<!tpu.dma_semaphore, #tpu.memory_space<semaphore_mem>>) src(%dma_wait3A_8 : memref<6144x1024xf32, #tpu.memory_space<hbm>>) dst(%arg7 : memref<64x1024xf32, #tpu.memory_space<vmem>>)
    "tpu.region"() ({
      %run_scoped3A = tpu.sem_alloc : memref<!tpu.dma_semaphore, #tpu.memory_space<semaphore_mem>>
      %dma_start3A_17 = arith.constant 0 : i32
      %dma_start3A_18 = tpu.memref_slice %arg4[%mul3A_2, %dma_start3A_17] : memref<4096x1024xf32, #tpu.memory_space<hbm>> -> memref<64x1024xf32, #tpu.memory_space<hbm>>
      %dma_start3A_19 = arith.constant 0 : i32
      %dma_start3A_20 = tpu.memref_slice %arg4[%mul3A_2, %dma_start3A_19] : memref<4096x1024xf32, #tpu.memory_space<hbm>> -> memref<64x1024xf32, #tpu.memory_space<hbm>>
      tpu.enqueue_dma source(%arg7 : memref<64x1024xf32, #tpu.memory_space<vmem>>) target(%dma_start3A_20 : memref<64x1024xf32, #tpu.memory_space<hbm>>) target_semaphore(%run_scoped3A : memref<!tpu.dma_semaphore, #tpu.memory_space<semaphore_mem>>)
      %dma_wait3A_21 = arith.constant 0 : i32
      %dma_wait3A_22 = tpu.memref_slice %arg4[%mul3A_2, %dma_wait3A_21] : memref<4096x1024xf32, #tpu.memory_space<hbm>> -> memref<64x1024xf32, #tpu.memory_space<hbm>>
      %dma_wait3A_23 = arith.constant 0 : i32
      %dma_wait3A_24 = tpu.memref_slice %arg4[%mul3A_2, %dma_wait3A_23] : memref<4096x1024xf32, #tpu.memory_space<hbm>> -> memref<64x1024xf32, #tpu.memory_space<hbm>>
      tpu.wait_dma2 semaphore(%run_scoped3A : memref<!tpu.dma_semaphore, #tpu.memory_space<semaphore_mem>>) src(%arg7 : memref<64x1024xf32, #tpu.memory_space<vmem>>) dst(%dma_wait3A_24 : memref<64x1024xf32, #tpu.memory_space<hbm>>)
      tpu.yield
    }) : () -> ()
    %dma_start3A_9 = arith.constant 0 : i32
    %dma_start3A_10 = arith.constant 0 : i32
    %dma_start3A_11 = tpu.memref_slice %arg2[%dma_start3A_9, %dma_start3A_10] : memref<6144x1024xf32, #tpu.memory_space<hbm>> -> memref<6144x1024xf32, #tpu.memory_space<hbm>>
    tpu.enqueue_indirect_dma source(%dma_start3A_11 : memref<6144x1024xf32, #tpu.memory_space<hbm>>) target(%arg7 : memref<64x1024xf32, #tpu.memory_space<vmem>>) offsets(%arg6 : memref<64xi32, #tpu.memory_space<vmem>>) semaphore(%arg8 : memref<!tpu.dma_semaphore, #tpu.memory_space<semaphore_mem>>)
    %dma_wait3A_12 = arith.constant 0 : i32
    %dma_wait3A_13 = arith.constant 0 : i32
    %dma_wait3A_14 = tpu.memref_slice %arg2[%dma_wait3A_12, %dma_wait3A_13] : memref<6144x1024xf32, #tpu.memory_space<hbm>> -> memref<6144x1024xf32, #tpu.memory_space<hbm>>
    tpu.wait_indirect_dma semaphore(%arg8 : memref<!tpu.dma_semaphore, #tpu.memory_space<semaphore_mem>>) src(%dma_wait3A_14 : memref<6144x1024xf32, #tpu.memory_space<hbm>>) dst(%arg7 : memref<64x1024xf32, #tpu.memory_space<vmem>>)
    %add3A_15 = arith.constant 64 : i32
    %add3A_16 = arith.addi %mul3A_2, %add3A_15 : i32
    "tpu.region"() ({
      %run_scoped3A = tpu.sem_alloc : memref<!tpu.dma_semaphore, #tpu.memory_space<semaphore_mem>>
      %dma_start3A_17 = arith.constant 0 : i32
      %dma_start3A_18 = tpu.memref_slice %arg4[%add3A_16, %dma_start3A_17] : memref<4096x1024xf32, #tpu.memory_space<hbm>> -> memref<64x1024xf32, #tpu.memory_space<hbm>>
      %dma_start3A_19 = arith.constant 0 : i32
      %dma_start3A_20 = tpu.memref_slice %arg4[%add3A_16, %dma_start3A_19] : memref<4096x1024xf32, #tpu.memory_space<hbm>> -> memref<64x1024xf32, #tpu.memory_space<hbm>>
      tpu.enqueue_dma source(%arg7 : memref<64x1024xf32, #tpu.memory_space<vmem>>) target(%dma_start3A_20 : memref<64x1024xf32, #tpu.memory_space<hbm>>) target_semaphore(%run_scoped3A : memref<!tpu.dma_semaphore, #tpu.memory_space<semaphore_mem>>)
      %dma_wait3A_21 = arith.constant 0 : i32
      %dma_wait3A_22 = tpu.memref_slice %arg4[%add3A_16, %dma_wait3A_21] : memref<4096x1024xf32, #tpu.memory_space<hbm>> -> memref<64x1024xf32, #tpu.memory_space<hbm>>
      %dma_wait3A_23 = arith.constant 0 : i32
      %dma_wait3A_24 = tpu.memref_slice %arg4[%add3A_16, %dma_wait3A_23] : memref<4096x1024xf32, #tpu.memory_space<hbm>> -> memref<64x1024xf32, #tpu.memory_space<hbm>>
      tpu.wait_dma2 semaphore(%run_scoped3A : memref<!tpu.dma_semaphore, #tpu.memory_space<semaphore_mem>>) src(%arg7 : memref<64x1024xf32, #tpu.memory_space<vmem>>) dst(%dma_wait3A_24 : memref<64x1024xf32, #tpu.memory_space<hbm>>)
      tpu.yield
    }) : () -> ()
    return
  }
}

#map = affine_map<(d0, d1) -> (0, 0)>
#map1 = affine_map<(d0, d1) -> (0)>
module attributes {stable_mosaic.version = 14 : i64} {
  func.func @sc_dispatch(%arg0: i32, %arg1: i32, %arg2: memref<2048x1024xf32, #tpu.memory_space<hbm>>, %arg3: memref<4096xi32, #tpu.memory_space<hbm>>, %arg4: memref<6144x1024xf32, #tpu.memory_space<hbm>>, %arg5: memref<64xi32, #tpu.memory_space<vmem>>, %arg6: memref<64xi32, #tpu.memory_space<vmem>>, %arg7: memref<64x1024xf32, #tpu.memory_space<vmem>>, %arg8: memref<!tpu.dma_semaphore, #tpu.memory_space<semaphore_mem>>) attributes {dimension_semantics = [#tpu.dimension_semantics<core_parallel>, #tpu.dimension_semantics<subcore_parallel>], iteration_bounds = array<i64: 2, 16>, scalar_prefetch = 0 : i64, scratch_operands = 4 : i64, tpu.core_type = #tpu.core_type<sc_vector_subcore>, window_params = [{transform_indices = #map}, {transform_indices = #map1}, {transform_indices = #map}]} {
    %mul3A = arith.constant 2 : i32
    %mul3A_0 = arith.muli %arg1, %mul3A : i32
    %add3A = arith.addi %mul3A_0, %arg0 : i32
    %mul3A_1 = arith.constant 128 : i32
    %mul3A_2 = arith.muli %add3A, %mul3A_1 : i32
    %rem3A = arith.constant 2048 : i32
    %rem3A_3 = arith.remsi %mul3A_2, %rem3A : i32
    "tpu.region"() ({
      %run_scoped3A = tpu.sem_alloc : memref<!tpu.dma_semaphore, #tpu.memory_space<semaphore_mem>>
      %dma_start3A_18 = tpu.memref_slice %arg3[%mul3A_2] : memref<4096xi32, #tpu.memory_space<hbm>> -> memref<64xi32, #tpu.memory_space<hbm>>
      %dma_start3A_19 = tpu.memref_slice %arg3[%mul3A_2] : memref<4096xi32, #tpu.memory_space<hbm>> -> memref<64xi32, #tpu.memory_space<hbm>>
      tpu.enqueue_dma source(%dma_start3A_19 : memref<64xi32, #tpu.memory_space<hbm>>) target(%arg5 : memref<64xi32, #tpu.memory_space<vmem>>) target_semaphore(%run_scoped3A : memref<!tpu.dma_semaphore, #tpu.memory_space<semaphore_mem>>)
      %dma_wait3A_20 = tpu.memref_slice %arg3[%mul3A_2] : memref<4096xi32, #tpu.memory_space<hbm>> -> memref<64xi32, #tpu.memory_space<hbm>>
      %dma_wait3A_21 = tpu.memref_slice %arg3[%mul3A_2] : memref<4096xi32, #tpu.memory_space<hbm>> -> memref<64xi32, #tpu.memory_space<hbm>>
      tpu.wait_dma2 semaphore(%run_scoped3A : memref<!tpu.dma_semaphore, #tpu.memory_space<semaphore_mem>>) src(%dma_wait3A_21 : memref<64xi32, #tpu.memory_space<hbm>>) dst(%arg5 : memref<64xi32, #tpu.memory_space<vmem>>)
      tpu.yield
    }) : () -> ()
    %add3A_4 = arith.constant 64 : i32
    %add3A_5 = arith.addi %mul3A_2, %add3A_4 : i32
    "tpu.region"() ({
      %run_scoped3A = tpu.sem_alloc : memref<!tpu.dma_semaphore, #tpu.memory_space<semaphore_mem>>
      %dma_start3A_18 = tpu.memref_slice %arg3[%add3A_5] : memref<4096xi32, #tpu.memory_space<hbm>> -> memref<64xi32, #tpu.memory_space<hbm>>
      %dma_start3A_19 = tpu.memref_slice %arg3[%add3A_5] : memref<4096xi32, #tpu.memory_space<hbm>> -> memref<64xi32, #tpu.memory_space<hbm>>
      tpu.enqueue_dma source(%dma_start3A_19 : memref<64xi32, #tpu.memory_space<hbm>>) target(%arg6 : memref<64xi32, #tpu.memory_space<vmem>>) target_semaphore(%run_scoped3A : memref<!tpu.dma_semaphore, #tpu.memory_space<semaphore_mem>>)
      %dma_wait3A_20 = tpu.memref_slice %arg3[%add3A_5] : memref<4096xi32, #tpu.memory_space<hbm>> -> memref<64xi32, #tpu.memory_space<hbm>>
      %dma_wait3A_21 = tpu.memref_slice %arg3[%add3A_5] : memref<4096xi32, #tpu.memory_space<hbm>> -> memref<64xi32, #tpu.memory_space<hbm>>
      tpu.wait_dma2 semaphore(%run_scoped3A : memref<!tpu.dma_semaphore, #tpu.memory_space<semaphore_mem>>) src(%dma_wait3A_21 : memref<64xi32, #tpu.memory_space<hbm>>) dst(%arg6 : memref<64xi32, #tpu.memory_space<vmem>>)
      tpu.yield
    }) : () -> ()
    "tpu.region"() ({
      %run_scoped3A = tpu.sem_alloc : memref<!tpu.dma_semaphore, #tpu.memory_space<semaphore_mem>>
      %dma_start3A_18 = arith.constant 0 : i32
      %dma_start3A_19 = tpu.memref_slice %arg2[%rem3A_3, %dma_start3A_18] : memref<2048x1024xf32, #tpu.memory_space<hbm>> -> memref<64x1024xf32, #tpu.memory_space<hbm>>
      %dma_start3A_20 = arith.constant 0 : i32
      %dma_start3A_21 = tpu.memref_slice %arg2[%rem3A_3, %dma_start3A_20] : memref<2048x1024xf32, #tpu.memory_space<hbm>> -> memref<64x1024xf32, #tpu.memory_space<hbm>>
      tpu.enqueue_dma source(%dma_start3A_21 : memref<64x1024xf32, #tpu.memory_space<hbm>>) target(%arg7 : memref<64x1024xf32, #tpu.memory_space<vmem>>) target_semaphore(%run_scoped3A : memref<!tpu.dma_semaphore, #tpu.memory_space<semaphore_mem>>)
      %dma_wait3A_22 = arith.constant 0 : i32
      %dma_wait3A_23 = tpu.memref_slice %arg2[%rem3A_3, %dma_wait3A_22] : memref<2048x1024xf32, #tpu.memory_space<hbm>> -> memref<64x1024xf32, #tpu.memory_space<hbm>>
      %dma_wait3A_24 = arith.constant 0 : i32
      %dma_wait3A_25 = tpu.memref_slice %arg2[%rem3A_3, %dma_wait3A_24] : memref<2048x1024xf32, #tpu.memory_space<hbm>> -> memref<64x1024xf32, #tpu.memory_space<hbm>>
      tpu.wait_dma2 semaphore(%run_scoped3A : memref<!tpu.dma_semaphore, #tpu.memory_space<semaphore_mem>>) src(%dma_wait3A_25 : memref<64x1024xf32, #tpu.memory_space<hbm>>) dst(%arg7 : memref<64x1024xf32, #tpu.memory_space<vmem>>)
      tpu.yield
    }) : () -> ()
    %dma_start3A = arith.constant 0 : i32
    %dma_start3A_6 = arith.constant 0 : i32
    %dma_start3A_7 = tpu.memref_slice %arg4[%dma_start3A, %dma_start3A_6] : memref<6144x1024xf32, #tpu.memory_space<hbm>> -> memref<6144x1024xf32, #tpu.memory_space<hbm>>
    tpu.enqueue_indirect_dma source(%arg7 : memref<64x1024xf32, #tpu.memory_space<vmem>>) target(%dma_start3A_7 : memref<6144x1024xf32, #tpu.memory_space<hbm>>) offsets(%arg5 : memref<64xi32, #tpu.memory_space<vmem>>) semaphore(%arg8 : memref<!tpu.dma_semaphore, #tpu.memory_space<semaphore_mem>>)
    %dma_wait3A = arith.constant 0 : i32
    %dma_wait3A_8 = arith.constant 0 : i32
    %dma_wait3A_9 = tpu.memref_slice %arg4[%dma_wait3A, %dma_wait3A_8] : memref<6144x1024xf32, #tpu.memory_space<hbm>> -> memref<6144x1024xf32, #tpu.memory_space<hbm>>
    tpu.wait_indirect_dma semaphore(%arg8 : memref<!tpu.dma_semaphore, #tpu.memory_space<semaphore_mem>>) src(%arg7 : memref<64x1024xf32, #tpu.memory_space<vmem>>) dst(%dma_wait3A_9 : memref<6144x1024xf32, #tpu.memory_space<hbm>>)
    %add3A_10 = arith.constant 64 : i32
    %add3A_11 = arith.addi %rem3A_3, %add3A_10 : i32
    "tpu.region"() ({
      %run_scoped3A = tpu.sem_alloc : memref<!tpu.dma_semaphore, #tpu.memory_space<semaphore_mem>>
      %dma_start3A_18 = arith.constant 0 : i32
      %dma_start3A_19 = tpu.memref_slice %arg2[%add3A_11, %dma_start3A_18] : memref<2048x1024xf32, #tpu.memory_space<hbm>> -> memref<64x1024xf32, #tpu.memory_space<hbm>>
      %dma_start3A_20 = arith.constant 0 : i32
      %dma_start3A_21 = tpu.memref_slice %arg2[%add3A_11, %dma_start3A_20] : memref<2048x1024xf32, #tpu.memory_space<hbm>> -> memref<64x1024xf32, #tpu.memory_space<hbm>>
      tpu.enqueue_dma source(%dma_start3A_21 : memref<64x1024xf32, #tpu.memory_space<hbm>>) target(%arg7 : memref<64x1024xf32, #tpu.memory_space<vmem>>) target_semaphore(%run_scoped3A : memref<!tpu.dma_semaphore, #tpu.memory_space<semaphore_mem>>)
      %dma_wait3A_22 = arith.constant 0 : i32
      %dma_wait3A_23 = tpu.memref_slice %arg2[%add3A_11, %dma_wait3A_22] : memref<2048x1024xf32, #tpu.memory_space<hbm>> -> memref<64x1024xf32, #tpu.memory_space<hbm>>
      %dma_wait3A_24 = arith.constant 0 : i32
      %dma_wait3A_25 = tpu.memref_slice %arg2[%add3A_11, %dma_wait3A_24] : memref<2048x1024xf32, #tpu.memory_space<hbm>> -> memref<64x1024xf32, #tpu.memory_space<hbm>>
      tpu.wait_dma2 semaphore(%run_scoped3A : memref<!tpu.dma_semaphore, #tpu.memory_space<semaphore_mem>>) src(%dma_wait3A_25 : memref<64x1024xf32, #tpu.memory_space<hbm>>) dst(%arg7 : memref<64x1024xf32, #tpu.memory_space<vmem>>)
      tpu.yield
    }) : () -> ()
    %dma_start3A_12 = arith.constant 0 : i32
    %dma_start3A_13 = arith.constant 0 : i32
    %dma_start3A_14 = tpu.memref_slice %arg4[%dma_start3A_12, %dma_start3A_13] : memref<6144x1024xf32, #tpu.memory_space<hbm>> -> memref<6144x1024xf32, #tpu.memory_space<hbm>>
    tpu.enqueue_indirect_dma source(%arg7 : memref<64x1024xf32, #tpu.memory_space<vmem>>) target(%dma_start3A_14 : memref<6144x1024xf32, #tpu.memory_space<hbm>>) offsets(%arg6 : memref<64xi32, #tpu.memory_space<vmem>>) semaphore(%arg8 : memref<!tpu.dma_semaphore, #tpu.memory_space<semaphore_mem>>)
    %dma_wait3A_15 = arith.constant 0 : i32
    %dma_wait3A_16 = arith.constant 0 : i32
    %dma_wait3A_17 = tpu.memref_slice %arg4[%dma_wait3A_15, %dma_wait3A_16] : memref<6144x1024xf32, #tpu.memory_space<hbm>> -> memref<6144x1024xf32, #tpu.memory_space<hbm>>
    tpu.wait_indirect_dma semaphore(%arg8 : memref<!tpu.dma_semaphore, #tpu.memory_space<semaphore_mem>>) src(%arg7 : memref<64x1024xf32, #tpu.memory_space<vmem>>) dst(%dma_wait3A_17 : memref<6144x1024xf32, #tpu.memory_space<hbm>>)
    return
  }
}

module attributes {stable_mosaic.version = 14 : i64} {
  func.func @_router_kernel(%arg0: memref<8x2048xf32, #tpu.memory_space<vmem>>, %arg1: memref<2x2048xi32, #tpu.memory_space<vmem>>, %arg2: memref<2x2048xf32, #tpu.memory_space<vmem>>, %arg3: memref<1x24xi32, #tpu.memory_space<vmem>>, %arg4: memref<8x1xf32, #tpu.memory_space<vmem>>) attributes {dimension_semantics = [], scalar_prefetch = 0 : i64, scratch_operands = 0 : i64, tpu.core_type = #tpu.core_type<tc>} {
    %get3A = arith.constant 0 : index
    %get3A_0 = arith.constant 0 : index
    %get3A_1 = vector.load %arg0[%get3A, %get3A_0] : memref<8x2048xf32, #tpu.memory_space<vmem>>, vector<8x2048xf32>
    %iota3A = tpu.iota {dimensions = array<i32: 0>} : vector<8x2048xi32>
    %reduce_max3A = arith.constant dense<0xFF800000> : vector<2048xf32>
    %reduce_max3A_2 = vector.multi_reduction <maximumf>, %get3A_1, %reduce_max3A [0] : vector<8x2048xf32> to vector<2048xf32>
    %broadcast_in_dim3A = vector.shape_cast %reduce_max3A_2 : vector<2048xf32> to vector<1x2048xf32>
    %eq3A = vector.broadcast %broadcast_in_dim3A : vector<1x2048xf32> to vector<8x2048xf32>
    %eq3A_3 = arith.cmpf oeq, %get3A_1, %eq3A : vector<8x2048xf32>
    %jit3A = arith.constant 8 : i32
    %broadcast_in_dim3A_4 = vector.broadcast %jit3A : i32 to vector<8x2048xi32>
    %select_n3A = arith.select %eq3A_3, %iota3A, %broadcast_in_dim3A_4 : vector<8x2048xi1>, vector<8x2048xi32>
    %reduce_min3A = arith.constant dense<2147483647> : vector<2048xi32>
    %reduce_min3A_5 = vector.multi_reduction <minsi>, %select_n3A, %reduce_min3A [0] : vector<8x2048xi32> to vector<2048xi32>
    %broadcast_in_dim3A_6 = vector.shape_cast %reduce_min3A_5 : vector<2048xi32> to vector<1x2048xi32>
    %eq3A_7 = vector.broadcast %broadcast_in_dim3A_6 : vector<1x2048xi32> to vector<8x2048xi32>
    %eq3A_8 = arith.cmpi eq, %iota3A, %eq3A_7 : vector<8x2048xi32>
    %jit3A_9 = arith.constant 0xFF800000 : f32
    %broadcast_in_dim3A_10 = vector.broadcast %jit3A_9 : f32 to vector<8x2048xf32>
    %select_n3A_11 = arith.select %eq3A_8, %broadcast_in_dim3A_10, %get3A_1 : vector<8x2048xi1>, vector<8x2048xf32>
    %reduce_max3A_12 = arith.constant dense<0xFF800000> : vector<2048xf32>
    %reduce_max3A_13 = vector.multi_reduction <maximumf>, %select_n3A_11, %reduce_max3A_12 [0] : vector<8x2048xf32> to vector<2048xf32>
    %broadcast_in_dim3A_14 = vector.shape_cast %reduce_max3A_13 : vector<2048xf32> to vector<1x2048xf32>
    %eq3A_15 = vector.broadcast %broadcast_in_dim3A_14 : vector<1x2048xf32> to vector<8x2048xf32>
    %eq3A_16 = arith.cmpf oeq, %select_n3A_11, %eq3A_15 : vector<8x2048xf32>
    %jit3A_17 = arith.constant 8 : i32
    %broadcast_in_dim3A_18 = vector.broadcast %jit3A_17 : i32 to vector<8x2048xi32>
    %select_n3A_19 = arith.select %eq3A_16, %iota3A, %broadcast_in_dim3A_18 : vector<8x2048xi1>, vector<8x2048xi32>
    %reduce_min3A_20 = arith.constant dense<2147483647> : vector<2048xi32>
    %reduce_min3A_21 = vector.multi_reduction <minsi>, %select_n3A_19, %reduce_min3A_20 [0] : vector<8x2048xi32> to vector<2048xi32>
    %broadcast_in_dim3A_22 = vector.shape_cast %reduce_min3A_21 : vector<2048xi32> to vector<1x2048xi32>
    %sub3A = arith.subf %broadcast_in_dim3A, %broadcast_in_dim3A_14 : vector<1x2048xf32>
    %logistic3A = arith.negf %sub3A : vector<1x2048xf32>
    %logistic3A_23 = math.exp %logistic3A : vector<1x2048xf32>
    %logistic3A_24 = arith.constant 1.000000e+00 : f32
    %logistic3A_25 = vector.broadcast %logistic3A_24 : f32 to vector<1x2048xf32>
    %logistic3A_26 = arith.addf %logistic3A_25, %logistic3A_23 : vector<1x2048xf32>
    %logistic3A_27 = arith.divf %logistic3A_25, %logistic3A_26 : vector<1x2048xf32>
    %eq3A_28 = vector.broadcast %broadcast_in_dim3A_6 : vector<1x2048xi32> to vector<8x2048xi32>
    %eq3A_29 = arith.cmpi eq, %iota3A, %eq3A_28 : vector<8x2048xi32>
    %convert_element_type3A = arith.extui %eq3A_29 : vector<8x2048xi1> to vector<8x2048xi32>
    %convert_element_type3A_30 = arith.sitofp %convert_element_type3A : vector<8x2048xi32> to vector<8x2048xf32>
    %eq3A_31 = vector.broadcast %broadcast_in_dim3A_22 : vector<1x2048xi32> to vector<8x2048xi32>
    %eq3A_32 = arith.cmpi eq, %iota3A, %eq3A_31 : vector<8x2048xi32>
    %convert_element_type3A_33 = arith.extui %eq3A_32 : vector<8x2048xi1> to vector<8x2048xi32>
    %convert_element_type3A_34 = arith.sitofp %convert_element_type3A_33 : vector<8x2048xi32> to vector<8x2048xf32>
    %broadcast_in_dim3A_35 = arith.constant 0.000000e+00 : f32
    %broadcast_in_dim3A_36 = vector.broadcast %broadcast_in_dim3A_35 : f32 to vector<8x1xf32>
    %slice3A = vector.extract_strided_slice %convert_element_type3A_30 {offsets = [0, 0], sizes = [8, 2047], strides = [1, 1]} : vector<8x2048xf32> to vector<8x2047xf32>
    %concatenate3A = tpu.concatenate %broadcast_in_dim3A_36, %slice3A in 1 : vector<8x1xf32>, vector<8x2047xf32> -> vector<8x2048xf32>
    %add3A = arith.addf %convert_element_type3A_30, %concatenate3A : vector<8x2048xf32>
    %broadcast_in_dim3A_37 = arith.constant 0.000000e+00 : f32
    %broadcast_in_dim3A_38 = vector.broadcast %broadcast_in_dim3A_37 : f32 to vector<8x2xf32>
    %slice3A_39 = vector.extract_strided_slice %add3A {offsets = [0, 0], sizes = [8, 2046], strides = [1, 1]} : vector<8x2048xf32> to vector<8x2046xf32>
    %concatenate3A_40 = tpu.concatenate %broadcast_in_dim3A_38, %slice3A_39 in 1 : vector<8x2xf32>, vector<8x2046xf32> -> vector<8x2048xf32>
    %add3A_41 = arith.addf %add3A, %concatenate3A_40 : vector<8x2048xf32>
    %broadcast_in_dim3A_42 = arith.constant 0.000000e+00 : f32
    %broadcast_in_dim3A_43 = vector.broadcast %broadcast_in_dim3A_42 : f32 to vector<8x4xf32>
    %slice3A_44 = vector.extract_strided_slice %add3A_41 {offsets = [0, 0], sizes = [8, 2044], strides = [1, 1]} : vector<8x2048xf32> to vector<8x2044xf32>
    %concatenate3A_45 = tpu.concatenate %broadcast_in_dim3A_43, %slice3A_44 in 1 : vector<8x4xf32>, vector<8x2044xf32> -> vector<8x2048xf32>
    %add3A_46 = arith.addf %add3A_41, %concatenate3A_45 : vector<8x2048xf32>
    %broadcast_in_dim3A_47 = arith.constant 0.000000e+00 : f32
    %broadcast_in_dim3A_48 = vector.broadcast %broadcast_in_dim3A_47 : f32 to vector<8x8xf32>
    %slice3A_49 = vector.extract_strided_slice %add3A_46 {offsets = [0, 0], sizes = [8, 2040], strides = [1, 1]} : vector<8x2048xf32> to vector<8x2040xf32>
    %concatenate3A_50 = tpu.concatenate %broadcast_in_dim3A_48, %slice3A_49 in 1 : vector<8x8xf32>, vector<8x2040xf32> -> vector<8x2048xf32>
    %add3A_51 = arith.addf %add3A_46, %concatenate3A_50 : vector<8x2048xf32>
    %broadcast_in_dim3A_52 = arith.constant 0.000000e+00 : f32
    %broadcast_in_dim3A_53 = vector.broadcast %broadcast_in_dim3A_52 : f32 to vector<8x16xf32>
    %slice3A_54 = vector.extract_strided_slice %add3A_51 {offsets = [0, 0], sizes = [8, 2032], strides = [1, 1]} : vector<8x2048xf32> to vector<8x2032xf32>
    %concatenate3A_55 = tpu.concatenate %broadcast_in_dim3A_53, %slice3A_54 in 1 : vector<8x16xf32>, vector<8x2032xf32> -> vector<8x2048xf32>
    %add3A_56 = arith.addf %add3A_51, %concatenate3A_55 : vector<8x2048xf32>
    %broadcast_in_dim3A_57 = arith.constant 0.000000e+00 : f32
    %broadcast_in_dim3A_58 = vector.broadcast %broadcast_in_dim3A_57 : f32 to vector<8x32xf32>
    %slice3A_59 = vector.extract_strided_slice %add3A_56 {offsets = [0, 0], sizes = [8, 2016], strides = [1, 1]} : vector<8x2048xf32> to vector<8x2016xf32>
    %concatenate3A_60 = tpu.concatenate %broadcast_in_dim3A_58, %slice3A_59 in 1 : vector<8x32xf32>, vector<8x2016xf32> -> vector<8x2048xf32>
    %add3A_61 = arith.addf %add3A_56, %concatenate3A_60 : vector<8x2048xf32>
    %broadcast_in_dim3A_62 = arith.constant 0.000000e+00 : f32
    %broadcast_in_dim3A_63 = vector.broadcast %broadcast_in_dim3A_62 : f32 to vector<8x64xf32>
    %slice3A_64 = vector.extract_strided_slice %add3A_61 {offsets = [0, 0], sizes = [8, 1984], strides = [1, 1]} : vector<8x2048xf32> to vector<8x1984xf32>
    %concatenate3A_65 = tpu.concatenate %broadcast_in_dim3A_63, %slice3A_64 in 1 : vector<8x64xf32>, vector<8x1984xf32> -> vector<8x2048xf32>
    %add3A_66 = arith.addf %add3A_61, %concatenate3A_65 : vector<8x2048xf32>
    %broadcast_in_dim3A_67 = arith.constant 0.000000e+00 : f32
    %broadcast_in_dim3A_68 = vector.broadcast %broadcast_in_dim3A_67 : f32 to vector<8x128xf32>
    %slice3A_69 = vector.extract_strided_slice %add3A_66 {offsets = [0, 0], sizes = [8, 1920], strides = [1, 1]} : vector<8x2048xf32> to vector<8x1920xf32>
    %concatenate3A_70 = tpu.concatenate %broadcast_in_dim3A_68, %slice3A_69 in 1 : vector<8x128xf32>, vector<8x1920xf32> -> vector<8x2048xf32>
    %add3A_71 = arith.addf %add3A_66, %concatenate3A_70 : vector<8x2048xf32>
    %broadcast_in_dim3A_72 = arith.constant 0.000000e+00 : f32
    %broadcast_in_dim3A_73 = vector.broadcast %broadcast_in_dim3A_72 : f32 to vector<8x256xf32>
    %slice3A_74 = vector.extract_strided_slice %add3A_71 {offsets = [0, 0], sizes = [8, 1792], strides = [1, 1]} : vector<8x2048xf32> to vector<8x1792xf32>
    %concatenate3A_75 = tpu.concatenate %broadcast_in_dim3A_73, %slice3A_74 in 1 : vector<8x256xf32>, vector<8x1792xf32> -> vector<8x2048xf32>
    %add3A_76 = arith.addf %add3A_71, %concatenate3A_75 : vector<8x2048xf32>
    %broadcast_in_dim3A_77 = arith.constant 0.000000e+00 : f32
    %broadcast_in_dim3A_78 = vector.broadcast %broadcast_in_dim3A_77 : f32 to vector<8x512xf32>
    %slice3A_79 = vector.extract_strided_slice %add3A_76 {offsets = [0, 0], sizes = [8, 1536], strides = [1, 1]} : vector<8x2048xf32> to vector<8x1536xf32>
    %concatenate3A_80 = tpu.concatenate %broadcast_in_dim3A_78, %slice3A_79 in 1 : vector<8x512xf32>, vector<8x1536xf32> -> vector<8x2048xf32>
    %add3A_81 = arith.addf %add3A_76, %concatenate3A_80 : vector<8x2048xf32>
    %broadcast_in_dim3A_82 = arith.constant 0.000000e+00 : f32
    %broadcast_in_dim3A_83 = vector.broadcast %broadcast_in_dim3A_82 : f32 to vector<8x1024xf32>
    %slice3A_84 = vector.extract_strided_slice %add3A_81 {offsets = [0, 0], sizes = [8, 1024], strides = [1, 1]} : vector<8x2048xf32> to vector<8x1024xf32>
    %concatenate3A_85 = tpu.concatenate %broadcast_in_dim3A_83, %slice3A_84 in 1 : vector<8x1024xf32>, vector<8x1024xf32> -> vector<8x2048xf32>
    %add3A_86 = arith.addf %add3A_81, %concatenate3A_85 : vector<8x2048xf32>
    %broadcast_in_dim3A_87 = arith.constant 0.000000e+00 : f32
    %broadcast_in_dim3A_88 = vector.broadcast %broadcast_in_dim3A_87 : f32 to vector<8x1xf32>
    %slice3A_89 = vector.extract_strided_slice %convert_element_type3A_34 {offsets = [0, 0], sizes = [8, 2047], strides = [1, 1]} : vector<8x2048xf32> to vector<8x2047xf32>
    %concatenate3A_90 = tpu.concatenate %broadcast_in_dim3A_88, %slice3A_89 in 1 : vector<8x1xf32>, vector<8x2047xf32> -> vector<8x2048xf32>
    %add3A_91 = arith.addf %convert_element_type3A_34, %concatenate3A_90 : vector<8x2048xf32>
    %broadcast_in_dim3A_92 = arith.constant 0.000000e+00 : f32
    %broadcast_in_dim3A_93 = vector.broadcast %broadcast_in_dim3A_92 : f32 to vector<8x2xf32>
    %slice3A_94 = vector.extract_strided_slice %add3A_91 {offsets = [0, 0], sizes = [8, 2046], strides = [1, 1]} : vector<8x2048xf32> to vector<8x2046xf32>
    %concatenate3A_95 = tpu.concatenate %broadcast_in_dim3A_93, %slice3A_94 in 1 : vector<8x2xf32>, vector<8x2046xf32> -> vector<8x2048xf32>
    %add3A_96 = arith.addf %add3A_91, %concatenate3A_95 : vector<8x2048xf32>
    %broadcast_in_dim3A_97 = arith.constant 0.000000e+00 : f32
    %broadcast_in_dim3A_98 = vector.broadcast %broadcast_in_dim3A_97 : f32 to vector<8x4xf32>
    %slice3A_99 = vector.extract_strided_slice %add3A_96 {offsets = [0, 0], sizes = [8, 2044], strides = [1, 1]} : vector<8x2048xf32> to vector<8x2044xf32>
    %concatenate3A_100 = tpu.concatenate %broadcast_in_dim3A_98, %slice3A_99 in 1 : vector<8x4xf32>, vector<8x2044xf32> -> vector<8x2048xf32>
    %add3A_101 = arith.addf %add3A_96, %concatenate3A_100 : vector<8x2048xf32>
    %broadcast_in_dim3A_102 = arith.constant 0.000000e+00 : f32
    %broadcast_in_dim3A_103 = vector.broadcast %broadcast_in_dim3A_102 : f32 to vector<8x8xf32>
    %slice3A_104 = vector.extract_strided_slice %add3A_101 {offsets = [0, 0], sizes = [8, 2040], strides = [1, 1]} : vector<8x2048xf32> to vector<8x2040xf32>
    %concatenate3A_105 = tpu.concatenate %broadcast_in_dim3A_103, %slice3A_104 in 1 : vector<8x8xf32>, vector<8x2040xf32> -> vector<8x2048xf32>
    %add3A_106 = arith.addf %add3A_101, %concatenate3A_105 : vector<8x2048xf32>
    %broadcast_in_dim3A_107 = arith.constant 0.000000e+00 : f32
    %broadcast_in_dim3A_108 = vector.broadcast %broadcast_in_dim3A_107 : f32 to vector<8x16xf32>
    %slice3A_109 = vector.extract_strided_slice %add3A_106 {offsets = [0, 0], sizes = [8, 2032], strides = [1, 1]} : vector<8x2048xf32> to vector<8x2032xf32>
    %concatenate3A_110 = tpu.concatenate %broadcast_in_dim3A_108, %slice3A_109 in 1 : vector<8x16xf32>, vector<8x2032xf32> -> vector<8x2048xf32>
    %add3A_111 = arith.addf %add3A_106, %concatenate3A_110 : vector<8x2048xf32>
    %broadcast_in_dim3A_112 = arith.constant 0.000000e+00 : f32
    %broadcast_in_dim3A_113 = vector.broadcast %broadcast_in_dim3A_112 : f32 to vector<8x32xf32>
    %slice3A_114 = vector.extract_strided_slice %add3A_111 {offsets = [0, 0], sizes = [8, 2016], strides = [1, 1]} : vector<8x2048xf32> to vector<8x2016xf32>
    %concatenate3A_115 = tpu.concatenate %broadcast_in_dim3A_113, %slice3A_114 in 1 : vector<8x32xf32>, vector<8x2016xf32> -> vector<8x2048xf32>
    %add3A_116 = arith.addf %add3A_111, %concatenate3A_115 : vector<8x2048xf32>
    %broadcast_in_dim3A_117 = arith.constant 0.000000e+00 : f32
    %broadcast_in_dim3A_118 = vector.broadcast %broadcast_in_dim3A_117 : f32 to vector<8x64xf32>
    %slice3A_119 = vector.extract_strided_slice %add3A_116 {offsets = [0, 0], sizes = [8, 1984], strides = [1, 1]} : vector<8x2048xf32> to vector<8x1984xf32>
    %concatenate3A_120 = tpu.concatenate %broadcast_in_dim3A_118, %slice3A_119 in 1 : vector<8x64xf32>, vector<8x1984xf32> -> vector<8x2048xf32>
    %add3A_121 = arith.addf %add3A_116, %concatenate3A_120 : vector<8x2048xf32>
    %broadcast_in_dim3A_122 = arith.constant 0.000000e+00 : f32
    %broadcast_in_dim3A_123 = vector.broadcast %broadcast_in_dim3A_122 : f32 to vector<8x128xf32>
    %slice3A_124 = vector.extract_strided_slice %add3A_121 {offsets = [0, 0], sizes = [8, 1920], strides = [1, 1]} : vector<8x2048xf32> to vector<8x1920xf32>
    %concatenate3A_125 = tpu.concatenate %broadcast_in_dim3A_123, %slice3A_124 in 1 : vector<8x128xf32>, vector<8x1920xf32> -> vector<8x2048xf32>
    %add3A_126 = arith.addf %add3A_121, %concatenate3A_125 : vector<8x2048xf32>
    %broadcast_in_dim3A_127 = arith.constant 0.000000e+00 : f32
    %broadcast_in_dim3A_128 = vector.broadcast %broadcast_in_dim3A_127 : f32 to vector<8x256xf32>
    %slice3A_129 = vector.extract_strided_slice %add3A_126 {offsets = [0, 0], sizes = [8, 1792], strides = [1, 1]} : vector<8x2048xf32> to vector<8x1792xf32>
    %concatenate3A_130 = tpu.concatenate %broadcast_in_dim3A_128, %slice3A_129 in 1 : vector<8x256xf32>, vector<8x1792xf32> -> vector<8x2048xf32>
    %add3A_131 = arith.addf %add3A_126, %concatenate3A_130 : vector<8x2048xf32>
    %broadcast_in_dim3A_132 = arith.constant 0.000000e+00 : f32
    %broadcast_in_dim3A_133 = vector.broadcast %broadcast_in_dim3A_132 : f32 to vector<8x512xf32>
    %slice3A_134 = vector.extract_strided_slice %add3A_131 {offsets = [0, 0], sizes = [8, 1536], strides = [1, 1]} : vector<8x2048xf32> to vector<8x1536xf32>
    %concatenate3A_135 = tpu.concatenate %broadcast_in_dim3A_133, %slice3A_134 in 1 : vector<8x512xf32>, vector<8x1536xf32> -> vector<8x2048xf32>
    %add3A_136 = arith.addf %add3A_131, %concatenate3A_135 : vector<8x2048xf32>
    %broadcast_in_dim3A_137 = arith.constant 0.000000e+00 : f32
    %broadcast_in_dim3A_138 = vector.broadcast %broadcast_in_dim3A_137 : f32 to vector<8x1024xf32>
    %slice3A_139 = vector.extract_strided_slice %add3A_136 {offsets = [0, 0], sizes = [8, 1024], strides = [1, 1]} : vector<8x2048xf32> to vector<8x1024xf32>
    %concatenate3A_140 = tpu.concatenate %broadcast_in_dim3A_138, %slice3A_139 in 1 : vector<8x1024xf32>, vector<8x1024xf32> -> vector<8x2048xf32>
    %add3A_141 = arith.addf %add3A_136, %concatenate3A_140 : vector<8x2048xf32>
    %slice3A_142 = vector.extract_strided_slice %add3A_86 {offsets = [0, 2047], sizes = [8, 1], strides = [1, 1]} : vector<8x2048xf32> to vector<8x1xf32>
    %slice3A_143 = vector.extract_strided_slice %add3A_141 {offsets = [0, 2047], sizes = [8, 1], strides = [1, 1]} : vector<8x2048xf32> to vector<8x1xf32>
    %add3A_144 = arith.addf %slice3A_142, %slice3A_143 : vector<8x1xf32>
    %mul3A = arith.constant 3.906250e-03 : f32
    %mul3A_145 = vector.broadcast %mul3A : f32 to vector<8x1xf32>
    %mul3A_146 = arith.mulf %add3A_144, %mul3A_145 : vector<8x1xf32>
    %ceil3A = math.ceil %mul3A_146 : vector<8x1xf32>
    %mul3A_147 = arith.constant 2.560000e+02 : f32
    %mul3A_148 = vector.broadcast %mul3A_147 : f32 to vector<8x1xf32>
    %mul3A_149 = arith.mulf %ceil3A, %mul3A_148 : vector<8x1xf32>
    %broadcast_in_dim3A_150 = arith.constant 0.000000e+00 : f32
    %broadcast_in_dim3A_151 = vector.broadcast %broadcast_in_dim3A_150 : f32 to vector<1x1xf32>
    %slice3A_152 = vector.extract_strided_slice %mul3A_149 {offsets = [0, 0], sizes = [7, 1], strides = [1, 1]} : vector<8x1xf32> to vector<7x1xf32>
    %concatenate3A_153 = tpu.concatenate %broadcast_in_dim3A_151, %slice3A_152 in 0 : vector<1x1xf32>, vector<7x1xf32> -> vector<8x1xf32>
    %add3A_154 = arith.addf %mul3A_149, %concatenate3A_153 : vector<8x1xf32>
    %broadcast_in_dim3A_155 = arith.constant 0.000000e+00 : f32
    %broadcast_in_dim3A_156 = vector.broadcast %broadcast_in_dim3A_155 : f32 to vector<2x1xf32>
    %slice3A_157 = vector.extract_strided_slice %add3A_154 {offsets = [0, 0], sizes = [6, 1], strides = [1, 1]} : vector<8x1xf32> to vector<6x1xf32>
    %concatenate3A_158 = tpu.concatenate %broadcast_in_dim3A_156, %slice3A_157 in 0 : vector<2x1xf32>, vector<6x1xf32> -> vector<8x1xf32>
    %add3A_159 = arith.addf %add3A_154, %concatenate3A_158 : vector<8x1xf32>
    %broadcast_in_dim3A_160 = arith.constant 0.000000e+00 : f32
    %broadcast_in_dim3A_161 = vector.broadcast %broadcast_in_dim3A_160 : f32 to vector<4x1xf32>
    %slice3A_162 = vector.extract_strided_slice %add3A_159 {offsets = [0, 0], sizes = [4, 1], strides = [1, 1]} : vector<8x1xf32> to vector<4x1xf32>
    %concatenate3A_163 = tpu.concatenate %broadcast_in_dim3A_161, %slice3A_162 in 0 : vector<4x1xf32>, vector<4x1xf32> -> vector<8x1xf32>
    %add3A_164 = arith.addf %add3A_159, %concatenate3A_163 : vector<8x1xf32>
    %sub3A_165 = arith.subf %add3A_164, %mul3A_149 : vector<8x1xf32>
    %sub3A_166 = arith.subf %add3A_86, %convert_element_type3A_30 : vector<8x2048xf32>
    %add3A_167 = vector.broadcast %slice3A_142 : vector<8x1xf32> to vector<8x2048xf32>
    %add3A_168 = arith.addf %add3A_167, %add3A_141 : vector<8x2048xf32>
    %sub3A_169 = arith.subf %add3A_168, %convert_element_type3A_34 : vector<8x2048xf32>
    %add3A_170 = vector.broadcast %sub3A_165 : vector<8x1xf32> to vector<8x2048xf32>
    %add3A_171 = arith.addf %add3A_170, %sub3A_166 : vector<8x2048xf32>
    %mul3A_172 = arith.mulf %convert_element_type3A_30, %add3A_171 : vector<8x2048xf32>
    %reduce_sum3A = arith.constant dense<0.000000e+00> : vector<2048xf32>
    %reduce_sum3A_173 = vector.multi_reduction <add>, %mul3A_172, %reduce_sum3A [0] : vector<8x2048xf32> to vector<2048xf32>
    %broadcast_in_dim3A_174 = vector.shape_cast %reduce_sum3A_173 : vector<2048xf32> to vector<1x2048xf32>
    %add3A_175 = vector.broadcast %sub3A_165 : vector<8x1xf32> to vector<8x2048xf32>
    %add3A_176 = arith.addf %add3A_175, %sub3A_169 : vector<8x2048xf32>
    %mul3A_177 = arith.mulf %convert_element_type3A_34, %add3A_176 : vector<8x2048xf32>
    %reduce_sum3A_178 = arith.constant dense<0.000000e+00> : vector<2048xf32>
    %reduce_sum3A_179 = vector.multi_reduction <add>, %mul3A_177, %reduce_sum3A_178 [0] : vector<8x2048xf32> to vector<2048xf32>
    %broadcast_in_dim3A_180 = vector.shape_cast %reduce_sum3A_179 : vector<2048xf32> to vector<1x2048xf32>
    %concatenate3A_181 = tpu.concatenate %broadcast_in_dim3A_174, %broadcast_in_dim3A_180 in 0 : vector<1x2048xf32>, vector<1x2048xf32> -> vector<2x2048xf32>
    %convert_element_type3A_182 = arith.fptosi %concatenate3A_181 : vector<2x2048xf32> to vector<2x2048xi32>
    %swap3A = arith.constant 0 : index
    %swap3A_183 = arith.constant 0 : index
    %swap3A_184 = vector.load %arg1[%swap3A, %swap3A_183] : memref<2x2048xi32, #tpu.memory_space<vmem>>, vector<2x2048xi32>
    tpu.vector_store %arg1[%swap3A, %swap3A_183], %convert_element_type3A_182 {strides = array<i32>} : memref<2x2048xi32, #tpu.memory_space<vmem>>, vector<2x2048xi32>,
    %sub3A_185 = arith.constant 1.000000e+00 : f32
    %sub3A_186 = vector.broadcast %sub3A_185 : f32 to vector<1x2048xf32>
    %sub3A_187 = arith.subf %sub3A_186, %logistic3A_27 : vector<1x2048xf32>
    %concatenate3A_188 = tpu.concatenate %logistic3A_27, %sub3A_187 in 0 : vector<1x2048xf32>, vector<1x2048xf32> -> vector<2x2048xf32>
    %swap3A_189 = arith.constant 0 : index
    %swap3A_190 = arith.constant 0 : index
    %swap3A_191 = vector.load %arg2[%swap3A_189, %swap3A_190] : memref<2x2048xf32, #tpu.memory_space<vmem>>, vector<2x2048xf32>
    tpu.vector_store %arg2[%swap3A_189, %swap3A_190], %concatenate3A_188 {strides = array<i32>} : memref<2x2048xf32, #tpu.memory_space<vmem>>, vector<2x2048xf32>,
    %add3A_192 = arith.addf %sub3A_165, %mul3A_149 : vector<8x1xf32>
    %iota3A_193 = tpu.iota {dimensions = array<i32: 1>} : vector<8x24xi32>
    %convert_element_type3A_194 = arith.sitofp %iota3A_193 : vector<8x24xi32> to vector<8x24xf32>
    %mul3A_195 = arith.constant 2.560000e+02 : f32
    %mul3A_196 = vector.broadcast %mul3A_195 : f32 to vector<8x24xf32>
    %mul3A_197 = arith.mulf %convert_element_type3A_194, %mul3A_196 : vector<8x24xf32>
    %ge3A = vector.broadcast %add3A_192 : vector<8x1xf32> to vector<8x24xf32>
    %ge3A_198 = arith.cmpf oge, %mul3A_197, %ge3A : vector<8x24xf32>
    %convert_element_type3A_199 = arith.extui %ge3A_198 : vector<8x24xi1> to vector<8x24xi32>
    %convert_element_type3A_200 = arith.sitofp %convert_element_type3A_199 : vector<8x24xi32> to vector<8x24xf32>
    %reduce_sum3A_201 = arith.constant dense<0.000000e+00> : vector<24xf32>
    %reduce_sum3A_202 = vector.multi_reduction <add>, %convert_element_type3A_200, %reduce_sum3A_201 [0] : vector<8x24xf32> to vector<24xf32>
    %broadcast_in_dim3A_203 = vector.shape_cast %reduce_sum3A_202 : vector<24xf32> to vector<1x24xf32>
    %min3A = arith.constant 7.000000e+00 : f32
    %min3A_204 = vector.broadcast %min3A : f32 to vector<1x24xf32>
    %min3A_205 = arith.minimumf %broadcast_in_dim3A_203, %min3A_204 : vector<1x24xf32>
    %convert_element_type3A_206 = arith.fptosi %min3A_205 : vector<1x24xf32> to vector<1x24xi32>
    %swap3A_207 = arith.constant 0 : index
    %swap3A_208 = arith.constant 0 : index
    %swap3A_209 = vector.load %arg3[%swap3A_207, %swap3A_208] : memref<1x24xi32, #tpu.memory_space<vmem>>, vector<1x24xi32>
    tpu.vector_store %arg3[%swap3A_207, %swap3A_208], %convert_element_type3A_206 {strides = array<i32>} : memref<1x24xi32, #tpu.memory_space<vmem>>, vector<1x24xi32>,
    %sub3A_210 = vector.broadcast %broadcast_in_dim3A : vector<1x2048xf32> to vector<8x2048xf32>
    %sub3A_211 = arith.subf %get3A_1, %sub3A_210 : vector<8x2048xf32>
    %exp3A = math.exp %sub3A_211 : vector<8x2048xf32>
    %reduce_sum3A_212 = arith.constant dense<0.000000e+00> : vector<2048xf32>
    %reduce_sum3A_213 = vector.multi_reduction <add>, %exp3A, %reduce_sum3A_212 [0] : vector<8x2048xf32> to vector<2048xf32>
    %broadcast_in_dim3A_214 = vector.shape_cast %reduce_sum3A_213 : vector<2048xf32> to vector<1x2048xf32>
    %div3A = vector.broadcast %broadcast_in_dim3A_214 : vector<1x2048xf32> to vector<8x2048xf32>
    %div3A_215 = arith.divf %exp3A, %div3A : vector<8x2048xf32>
    %reduce_sum3A_216 = arith.constant dense<0.000000e+00> : vector<8xf32>
    %reduce_sum3A_217 = vector.multi_reduction <add>, %div3A_215, %reduce_sum3A_216 [1] : vector<8x2048xf32> to vector<8xf32>
    %broadcast_in_dim3A_218 = vector.shape_cast %reduce_sum3A_217 : vector<8xf32> to vector<8x1xf32>
    %swap3A_219 = arith.constant 0 : index
    %swap3A_220 = arith.constant 0 : index
    %swap3A_221 = vector.load %arg4[%swap3A_219, %swap3A_220] : memref<8x1xf32, #tpu.memory_space<vmem>>, vector<8x1xf32>
    tpu.vector_store %arg4[%swap3A_219, %swap3A_220], %broadcast_in_dim3A_218 {strides = array<i32>} : memref<8x1xf32, #tpu.memory_space<vmem>>, vector<8x1xf32>,
    return
  }
}

module attributes {stable_mosaic.version = 14 : i64} {
  func.func @_expert_kernel(%arg0: i32, %arg1: memref<24xi32, #tpu.memory_space<smem>>, %arg2: memref<256x1024xf32, #tpu.memory_space<vmem>>, %arg3: memref<1x1792x1024xbf16, #tpu.memory_space<vmem>>, %arg4: memref<1x1792x1024xbf16, #tpu.memory_space<vmem>>, %arg5: memref<1x1024x1792xbf16, #tpu.memory_space<vmem>>, %arg6: memref<256x1024xf32, #tpu.memory_space<vmem>>) attributes {dimension_semantics = [#tpu.dimension_semantics<arbitrary>], iteration_bounds = array<i64: 24>, scalar_prefetch = 1 : i64, scratch_operands = 0 : i64, tpu.core_type = #tpu.core_type<tc>, window_params = [{transform_indices = @transform_0, window_bounds = array<i64: 256, 1024>}, {transform_indices = @transform_1, window_bounds = array<i64: 1, 1792, 1024>}, {transform_indices = @transform_2, window_bounds = array<i64: 1, 1792, 1024>}, {transform_indices = @transform_3, window_bounds = array<i64: 1, 1024, 1792>}, {transform_indices = @transform_4, window_bounds = array<i64: 256, 1024>}]} {
    %get3A = arith.constant 0 : index
    %get3A_0 = arith.constant 0 : index
    %get3A_1 = vector.load %arg2[%get3A, %get3A_0] : memref<256x1024xf32, #tpu.memory_space<vmem>>, vector<256x1024xf32>
    %convert_element_type3A = arith.truncf %get3A_1 : vector<256x1024xf32> to vector<256x1024xbf16>
    %get3A_2 = arith.constant 0 : index
    %get3A_3 = arith.constant 0 : index
    %get3A_4 = arith.constant 0 : index
    %get3A_5 = vector.load %arg3[%get3A_2, %get3A_3, %get3A_4] : memref<1x1792x1024xbf16, #tpu.memory_space<vmem>>, vector<1x1792x1024xbf16>
    %get3A_6 = vector.shape_cast %get3A_5 : vector<1x1792x1024xbf16> to vector<1792x1024xbf16>
    %dot_general3A = arith.constant dense<0.000000e+00> : vector<256x1792xf32>
    %dot_general3A_7 = tpu.matmul %convert_element_type3A, %get3A_6, %dot_general3A {dimension_numbers = #tpu.dot_dimension_numbers<[1], [1], [0], [0], [0, 0, 1, 0], [], []>, transpose_lhs_hint = false} : vector<256x1024xbf16>, vector<1792x1024xbf16>, vector<256x1792xf32> -> vector<256x1792xf32>
    %get3A_8 = arith.constant 0 : index
    %get3A_9 = arith.constant 0 : index
    %get3A_10 = arith.constant 0 : index
    %get3A_11 = vector.load %arg4[%get3A_8, %get3A_9, %get3A_10] : memref<1x1792x1024xbf16, #tpu.memory_space<vmem>>, vector<1x1792x1024xbf16>
    %get3A_12 = vector.shape_cast %get3A_11 : vector<1x1792x1024xbf16> to vector<1792x1024xbf16>
    %dot_general3A_13 = arith.constant dense<0.000000e+00> : vector<256x1792xf32>
    %dot_general3A_14 = tpu.matmul %convert_element_type3A, %get3A_12, %dot_general3A_13 {dimension_numbers = #tpu.dot_dimension_numbers<[1], [1], [0], [0], [0, 0, 1, 0], [], []>, transpose_lhs_hint = false} : vector<256x1024xbf16>, vector<1792x1024xbf16>, vector<256x1792xf32> -> vector<256x1792xf32>
    %logistic3A = arith.negf %dot_general3A_7 : vector<256x1792xf32>
    %logistic3A_15 = math.exp %logistic3A : vector<256x1792xf32>
    %logistic3A_16 = arith.constant 1.000000e+00 : f32
    %logistic3A_17 = vector.broadcast %logistic3A_16 : f32 to vector<256x1792xf32>
    %logistic3A_18 = arith.addf %logistic3A_17, %logistic3A_15 : vector<256x1792xf32>
    %logistic3A_19 = arith.divf %logistic3A_17, %logistic3A_18 : vector<256x1792xf32>
    %mul3A = arith.mulf %dot_general3A_7, %logistic3A_19 : vector<256x1792xf32>
    %mul3A_20 = arith.mulf %mul3A, %dot_general3A_14 : vector<256x1792xf32>
    %convert_element_type3A_21 = arith.truncf %mul3A_20 : vector<256x1792xf32> to vector<256x1792xbf16>
    %get3A_22 = arith.constant 0 : index
    %get3A_23 = arith.constant 0 : index
    %get3A_24 = arith.constant 0 : index
    %get3A_25 = vector.load %arg5[%get3A_22, %get3A_23, %get3A_24] : memref<1x1024x1792xbf16, #tpu.memory_space<vmem>>, vector<1x1024x1792xbf16>
    %get3A_26 = vector.shape_cast %get3A_25 : vector<1x1024x1792xbf16> to vector<1024x1792xbf16>
    %dot_general3A_27 = arith.constant dense<0.000000e+00> : vector<256x1024xf32>
    %dot_general3A_28 = tpu.matmul %convert_element_type3A_21, %get3A_26, %dot_general3A_27 {dimension_numbers = #tpu.dot_dimension_numbers<[1], [1], [0], [0], [0, 0, 1, 0], [], []>, transpose_lhs_hint = false} : vector<256x1792xbf16>, vector<1024x1792xbf16>, vector<256x1024xf32> -> vector<256x1024xf32>
    %swap3A = arith.constant 0 : index
    %swap3A_29 = arith.constant 0 : index
    %swap3A_30 = vector.load %arg6[%swap3A, %swap3A_29] : memref<256x1024xf32, #tpu.memory_space<vmem>>, vector<256x1024xf32>
    tpu.vector_store %arg6[%swap3A, %swap3A_29], %dot_general3A_28 {strides = array<i32>} : memref<256x1024xf32, #tpu.memory_space<vmem>>, vector<256x1024xf32>,
    return
  }
  func.func @transform_0(%arg0: i32, %arg1: memref<24xi32, #tpu.memory_space<smem>>) -> (i32, i32) {
    %c0_i32 = arith.constant 0 : i32
    %c0_i32_0 = arith.constant 0 : i32
    return %arg0, %c0_i32 : i32, i32
  }
  func.func @transform_1(%arg0: i32, %arg1: memref<24xi32, #tpu.memory_space<smem>>) -> (i32, i32, i32) {
    %get3A = arith.index_cast %arg0 : i32 to index
    %get3A_0 = memref.load %arg1[%get3A] : memref<24xi32, #tpu.memory_space<smem>>
    %c0_i32 = arith.constant 0 : i32
    %c0_i32_1 = arith.constant 0 : i32
    %c0_i32_2 = arith.constant 0 : i32
    return %get3A_0, %c0_i32, %c0_i32_1 : i32, i32, i32
  }
  func.func @transform_2(%arg0: i32, %arg1: memref<24xi32, #tpu.memory_space<smem>>) -> (i32, i32, i32) {
    %get3A = arith.index_cast %arg0 : i32 to index
    %get3A_0 = memref.load %arg1[%get3A] : memref<24xi32, #tpu.memory_space<smem>>
    %c0_i32 = arith.constant 0 : i32
    %c0_i32_1 = arith.constant 0 : i32
    %c0_i32_2 = arith.constant 0 : i32
    return %get3A_0, %c0_i32, %c0_i32_1 : i32, i32, i32
  }
  func.func @transform_3(%arg0: i32, %arg1: memref<24xi32, #tpu.memory_space<smem>>) -> (i32, i32, i32) {
    %get3A = arith.index_cast %arg0 : i32 to index
    %get3A_0 = memref.load %arg1[%get3A] : memref<24xi32, #tpu.memory_space<smem>>
    %c0_i32 = arith.constant 0 : i32
    %c0_i32_1 = arith.constant 0 : i32
    %c0_i32_2 = arith.constant 0 : i32
    return %get3A_0, %c0_i32, %c0_i32_1 : i32, i32, i32
  }
  func.func @transform_4(%arg0: i32, %arg1: memref<24xi32, #tpu.memory_space<smem>>) -> (i32, i32) {
    %c0_i32 = arith.constant 0 : i32
    %c0_i32_0 = arith.constant 0 : i32
    return %arg0, %c0_i32 : i32, i32
  }
}

module attributes {stable_mosaic.version = 14 : i64} {
  func.func @_add_kernel(%arg0: i32, %arg1: memref<512x1024xf32, #tpu.memory_space<vmem>>, %arg2: memref<512x1024xf32, #tpu.memory_space<vmem>>, %arg3: memref<512x2xf32, #tpu.memory_space<vmem>>, %arg4: memref<512x1024xf32, #tpu.memory_space<vmem>>) attributes {dimension_semantics = [#tpu.dimension_semantics<arbitrary>], iteration_bounds = array<i64: 4>, scalar_prefetch = 0 : i64, scratch_operands = 0 : i64, tpu.core_type = #tpu.core_type<tc>, window_params = [{transform_indices = @transform_0, window_bounds = array<i64: 512, 1024>}, {transform_indices = @transform_1, window_bounds = array<i64: 512, 1024>}, {transform_indices = @transform_2, window_bounds = array<i64: 512, 2>}, {transform_indices = @transform_3, window_bounds = array<i64: 512, 1024>}]} {
    %get3A = arith.constant 0 : index
    %get3A_0 = arith.constant 0 : index
    %get3A_1 = vector.load %arg3[%get3A, %get3A_0] : memref<512x2xf32, #tpu.memory_space<vmem>>, vector<512x2xf32>
    %get3A_2 = arith.constant 0 : index
    %get3A_3 = arith.constant 0 : index
    %get3A_4 = vector.load %arg1[%get3A_2, %get3A_3] : memref<512x1024xf32, #tpu.memory_space<vmem>>, vector<512x1024xf32>
    %slice3A = vector.extract_strided_slice %get3A_1 {offsets = [0, 0], sizes = [512, 1], strides = [1, 1]} : vector<512x2xf32> to vector<512x1xf32>
    %mul3A = vector.broadcast %slice3A : vector<512x1xf32> to vector<512x1024xf32>
    %mul3A_5 = arith.mulf %get3A_4, %mul3A : vector<512x1024xf32>
    %get3A_6 = arith.constant 0 : index
    %get3A_7 = arith.constant 0 : index
    %get3A_8 = vector.load %arg2[%get3A_6, %get3A_7] : memref<512x1024xf32, #tpu.memory_space<vmem>>, vector<512x1024xf32>
    %slice3A_9 = vector.extract_strided_slice %get3A_1 {offsets = [0, 1], sizes = [512, 1], strides = [1, 1]} : vector<512x2xf32> to vector<512x1xf32>
    %mul3A_10 = vector.broadcast %slice3A_9 : vector<512x1xf32> to vector<512x1024xf32>
    %mul3A_11 = arith.mulf %get3A_8, %mul3A_10 : vector<512x1024xf32>
    %add3A = arith.addf %mul3A_5, %mul3A_11 : vector<512x1024xf32>
    %swap3A = arith.constant 0 : index
    %swap3A_12 = arith.constant 0 : index
    %swap3A_13 = vector.load %arg4[%swap3A, %swap3A_12] : memref<512x1024xf32, #tpu.memory_space<vmem>>, vector<512x1024xf32>
    tpu.vector_store %arg4[%swap3A, %swap3A_12], %add3A {strides = array<i32>} : memref<512x1024xf32, #tpu.memory_space<vmem>>, vector<512x1024xf32>,
    return
  }
  func.func @transform_0(%arg0: i32) -> (i32, i32) {
    %c0_i32 = arith.constant 0 : i32
    %c0_i32_0 = arith.constant 0 : i32
    return %arg0, %c0_i32 : i32, i32
  }
  func.func @transform_1(%arg0: i32) -> (i32, i32) {
    %add3A = arith.constant 4 : i32
    %add3A_0 = arith.addi %arg0, %add3A : i32
    %c0_i32 = arith.constant 0 : i32
    %c0_i32_1 = arith.constant 0 : i32
    return %add3A_0, %c0_i32 : i32, i32
  }
  func.func @transform_2(%arg0: i32) -> (i32, i32) {
    %c0_i32 = arith.constant 0 : i32
    %c0_i32_0 = arith.constant 0 : i32
    return %arg0, %c0_i32 : i32, i32
  }
  func.func @transform_3(%arg0: i32) -> (i32, i32) {
    %c0_i32 = arith.constant 0 : i32
    %c0_i32_0 = arith.constant 0 : i32
    return %arg0, %c0_i32 : i32, i32
  }
}

</mosaic_0001>

<sc_bundles>
// kernel: kernel.10.cloned.1.call-start
scs
__scs_entry_jumppad:
0x0: {  	(pc) =	sbr.rel $0x88, $3  }
0x1: {  	(tag) =	ssettag $0x0;
	lr =	simm.s32 $0x1  }
0x2: {  	[smem:$0x3F9C] =	sst lr;
	_ =	strace $0xD0000000  }
0x3: {  	_ = 	snop  }
0x4: {  	_ = 	snop  }
0x5: {  	_ = 	snop  }
0x6: {  	_ = 	snop  }
0x7: {  	_ = 	snop  }
__scs_overlays_trampoline_lowered:
0x8: {  	[smem:$0x3FAB] =	sst s0  }
0x9: {  	[smem:$0x3FAC] =	sst s1  }
0xa: {  	[smem:$0x3FAD] =	sst s2  }
0xb: {  	[smem:$0x3FAE] =	sst s3  }
0xc: {  	[smem:$0x3FAF] =	sst s4  }
0xd: {  	[smem:$0x3FB0] =	sst s5  }
0xe: {  	[smem:$0x3FB1] =	sst s6  }
0xf: {  	[smem:$0x3FB2] =	sst s7  }
0x10: {  	[smem:$0x3FB3] =	sst s8  }
0x11: {  	[smem:$0x3FB4] =	sst s9;
	s0 =	simm.s32 @!p0 $0x0  }
0x12: {  	s1 =	sld [smem:$0x3F9A];
	s0 =	simm.s32 @p0 $0x1  }
0x13: {  	[smem:$0x3FB5] =	sst s0;
	s0 =	simm.s32 @!p1 $0x0  }
0x14: {  	s2 =	sld [smem:$0x3F99];
	s0 =	simm.s32 @p1 $0x1  }
0x15: {  	[smem:$0x3FB6] =	sst s0;
	s0 =	simm.s32 @!p2 $0x0  }
0x16: {  	s3 =	sld [smem:$0x3FDB];
	s0 =	simm.s32 @p2 $0x1  }
0x17: {  	s4 =	simm.s32 $0x1BF5;
	[smem:$0x3FB8] =	sst s0  }
0x18: {  	s0 =	sld [smem:$0x3F9B];
	_ =	swait.ge [sflag:s4], $0x0  }
0x19: {  	s7 =	sld [smem:$0x3F9C]  }
0x1a: {  	s8 =	sadd.s32 $0xFFFFE003, lr  }
0x1b: {  	s9 =	sadd.s32 $0xFFFFFEF7, lr;
	s5 =	simm.s32 $0xFFFFFFFF;
	p2 =	slt.u32 s8, $0xFFFFF086  }
0x1c: {  	p1 =	slt.u32 s9, $0xF7A;
	s5 =	simm.s32 @!p2 $0x0  }
0x1d: {  	s5 =	simm.s32 @p1 $0x1;
	p0 =	seq.s32 s7, s2  }
0x1e: {  	s7 =	smul.u32 @!p0 $0xF7A, s2;
	p2 =	seq.s32 @!p0 s5, $0x0  }
0x1f: {  	s9 =	smul.u32 $0xF7A, s1;
	s8 =	simm.s32 @!p0 $0x1BF5;
	p2 =	por !p2, p0  }
0x20: {  	[sflag:s8] =	ssyncset.s32 @!p0 $0xFFFFF086;
	s6 =	sadd.s32 @!p0 s3, s7;
	s7 =	simm.s32 @!p0 $0x108  }
0x21: {  	s3 =	sadd.s32 s3, s9;
	s6 =	sadd.s32 @!p0 $0x88, s6;
	s7 =	simm.s32 @p2 $0x1082  }
0x22: {  	[simem:s7], [sflag:s8] =	dma.local @!p0 [hbm:s6], $0xF7A  }
0x23: {  	s9 =	sor.u32 $0xD0000000, s2;
	s6 =	simm.s32 $0x108;
	_ =	swait.ge @!p0 [sflag:s8], $0x0  }
0x24: {  	s3 =	sadd.s32 $0x88, s3;
	s6 =	simm.s32 @!p1 $0x1082;
	[sflag:s4] =	ssyncset.s32 $0xFFFFF086  }
0x25: {  	[simem:s6], [sflag:s4] =	dma.local [hbm:s3], $0xF7A  }
0x26: {  	[smem:$0x3F9C] =	sst s1;
	(tag) =	ssettag s2;
	_ =	strace s9  }
0x27: {  	s1 =	sld [smem:$0x3FAC]  }
0x28: {  	s2 =	sld [smem:$0x3FAD]  }
0x29: {  	s4 =	sld [smem:$0x3FAF]  }
0x2a: {  	p0 =	seq.s32 s5, $0x0;
	s5 =	sld [smem:$0x3FB0]  }
0x2b: {  	s6 =	sld [smem:$0x3FB1]  }
0x2c: {  	s7 =	sld [smem:$0x3FB2]  }
0x2d: {  	s3 =	simm.s32 $0x108;
	s8 =	sld [smem:$0x3FB3]  }
0x2e: {  	s3 =	simm.s32 @!p0 $0x1082;
	s9 =	sld [smem:$0x3FB4]  }
0x2f: {  	lr =	sadd.s32 s0, s3;
	s0 =	sld [smem:$0x3FAB]  }
0x30: {  	s3 =	sld [smem:$0x3FAE]  }
0x31: {  	[smem:$0x3FB7] =	sst s10  }
0x32: {  	s10 =	sld [smem:$0x3FB5];
	_ =	sdelay $0x3  }
0x33: {  	p0 =	seq.s32 s10, $0x1;
	s10 =	sld [smem:$0x3FB7];
	_ =	sdelay $0x3  }
0x34: {  	[smem:$0x3FB7] =	sst s10  }
0x35: {  	s10 =	sld [smem:$0x3FB6];
	_ =	sdelay $0x3  }
0x36: {  	p1 =	seq.s32 s10, $0x1;
	s10 =	sld [smem:$0x3FB7];
	_ =	sdelay $0x3  }
0x37: {  	[smem:$0x3FB7] =	sst s10  }
0x38: {  	s10 =	sld [smem:$0x3FB8]  }
0x39: {  	_ = 	snop;
	(pc) =	sbr.ind lr, $3  }
0x3a: {  	_ = 	snop  }
0x3b: {  	_ = 	snop  }
0x3c: {  	p2 =	seq.s32 s10, $0x1;
	s10 =	sld [smem:$0x3FB7]  }
0x3d: {  	_ =	shalt  }
0x3e: {  	_ =	shalt  }
0x3f: {  	_ =	shalt  }
0x40: {  	_ =	shalt  }
0x41: {  	_ =	shalt  }
0x42: {  	_ =	shalt  }
0x43: {  	_ =	shalt  }
0x44: {  	_ =	shalt  }
0x45: {  	_ =	shalt  }
0x46: {  	_ =	shalt  }
0x47: {  	_ =	shalt  }
0x48: {  	_ =	shalt  }
0x49: {  	_ =	shalt  }
0x4a: {  	_ =	shalt  }
0x4b: {  	_ =	shalt  }
0x4c: {  	_ =	shalt  }
0x4d: {  	_ =	shalt  }
0x4e: {  	_ =	shalt  }
0x4f: {  	_ =	shalt  }
0x50: {  	_ =	shalt  }
0x51: {  	_ =	shalt  }
0x52: {  	_ =	shalt  }
0x53: {  	_ =	shalt  }
0x54: {  	_ =	shalt  }
0x55: {  	_ =	shalt  }
0x56: {  	_ =	shalt  }
0x57: {  	_ =	shalt  }
0x58: {  	_ =	shalt  }
0x59: {  	_ =	shalt  }
0x5a: {  	_ =	shalt  }
0x5b: {  	_ =	shalt  }
0x5c: {  	_ =	shalt  }
0x5d: {  	_ =	shalt  }
0x5e: {  	_ =	shalt  }
0x5f: {  	_ =	shalt  }
0x60: {  	_ =	shalt  }
0x61: {  	_ =	shalt  }
0x62: {  	_ =	shalt  }
0x63: {  	_ =	shalt  }
0x64: {  	_ =	shalt  }
0x65: {  	_ =	shalt  }
0x66: {  	_ =	shalt  }
0x67: {  	_ =	shalt  }
0x68: {  	_ =	shalt  }
0x69: {  	_ =	shalt  }
0x6a: {  	_ =	shalt  }
0x6b: {  	_ =	shalt  }
0x6c: {  	_ =	shalt  }
0x6d: {  	_ =	shalt  }
0x6e: {  	_ =	shalt  }
0x6f: {  	_ =	shalt  }
0x70: {  	_ =	shalt  }
0x71: {  	_ =	shalt  }
0x72: {  	_ =	shalt  }
0x73: {  	_ =	shalt  }
0x74: {  	_ =	shalt  }
0x75: {  	_ =	shalt  }
0x76: {  	_ =	shalt  }
0x77: {  	_ =	shalt  }
0x78: {  	_ =	shalt  }
0x79: {  	_ =	shalt  }
0x7a: {  	_ =	shalt  }
0x7b: {  	_ =	shalt  }
0x7c: {  	_ =	shalt  }
0x7d: {  	_ =	shalt  }
0x7e: {  	_ =	shalt  }
0x7f: {  	_ =	shalt  }
0x80: {  	_ =	shalt  }
0x81: {  	_ =	shalt  }
0x82: {  	_ =	shalt  }
0x83: {  	_ =	shalt  }
0x84: {  	_ =	shalt  }
0x85: {  	_ =	shalt  }
0x86: {  	_ =	shalt  }
0x87: {  	_ =	shalt  }
.Lfunc_end0:
.L_simem_size_0:
called_computation.1_lowered:
.L_overlay_start_0:
0x88: {  	s2 =	sld [smem:$0x3FD9]  }
0x89: {  	s3 =	sld [smem:$0x3FFE];
	_ =	sdelay $0x1  }
0x8a: {  	s1 =	srdreg.scid  }
0x8b: {  	s0 =	sand.u32 $0x1, s1  }
0x8c: {  	s14 =	sshll.u32 s0, $0xA;
	s2 =	sadd.s32 s3, s2  }
0x8d: {  	s2 =	sadd.s32 s2, s14  }
0x8e: {  	[smem:$0x3FC3] =	sst s2  }
0x8f: {  	_ = 	snop  }
0x90: {  	s2 =	sld [smem:$0x3FD0];
	_ =	sdelay $0x2  }
0x91: {  	s15 =	simm.s32 $0xA;
	s4 =	simm.s32 $0x10  }
0x92: {  	[smem:s4], [sflag:s15] =	dma.local [hbm:s2], $0x1  }
0x93: {  	_ =	swait.eq [sflag:s15], $0x1  }
0x94: {  	[sflag:s15] =	ssyncset.done $0x0  }
0x95: {  	[sflag:s15] =	ssyncadd.s32 $0xFFFFFFFF  }
0x96: {  	s16 =	sld [smem:$0x10];
	(tm) =	ssettm $0x1  }
0x97: {  	s17 =	sld [smem:$0x3FFB];
	_ =	sdelay $0x3  }
0x98: {  	_ =	strace s17  }
0x99: {  	s3 =	sld [smem:$0x3FFC];
	_ =	sdelay $0x3  }
0x9a: {  	_ =	strace s3  }
0x9b: {  	s3 =	sld [smem:$0x3FFD];
	_ =	sdelay $0x3  }
0x9c: {  	_ =	strace s3  }
0x9d: {  	_ =	strace $0x8FFFFFFF  }
0x9e: {  	s18 =	sld [smem:$0x3FDB];
	_ =	sdelay $0x1  }
0x9f: {  	s19 =	simm.s32 $_scs_section_size  }
0xa0: {  	s5 =	simm.s32 $_size__tile_overlayer_lowered;
	s6 =	simm.s32 $_tile_overlayer_lowered  }
0xa1: {  	s22 =	simm.s32 $0x1BFF;
	s21 =	sshll.u32 s6, $0x1;
	s3 =	sadd.s32 s19, s18  }
0xa2: {  	s7 =	simm.s32 $0x0;
	s20 =	sshll.u32 s5, $0x1;
	s5 =	sadd.s32 s21, s3  }
0xa3: {  	[timem:s7], [sflag:s22] =	dma.local [hbm:s5], s20  }
0xa4: {  	_ =	swait.ge [sflag:s22], s20  }
0xa5: {  	s4 =	ssub.s32 $0x0, s20;
	[sflag:s22] =	ssyncset.done $0x0  }
0xa6: {  	[sflag:s22] =	ssyncadd.s32 s4;
	_ =	sdelay $0x1  }
0xa7: {  	s23 =	simm.s32 $0x1B8B  }
0xa8: {  	_ =	swait.ge [sflag:s23], $0x1  }
0xa9: {  	[sflag:s23] =	ssyncset.done $0x0  }
0xaa: {  	s25 =	simm.s32 $0x1B8E;
	s24 =	sld [smem:$0x3FFE];
	[sflag:s23] =	ssyncadd.s32 $0xFFFFFFFF  }
0xab: {  	s26 =	simm.s32 $execute0_lowered;
	[smem:$0x3FD2] =	sst s25  }
0xac: {  	s5 =	sshll.u32 s26, $0x1;
	_ =	strace $0x80000049;
	[dreg:$0x1] =	wrdreg $0xFFFFFFFF  }
0xad: {  	s28 =	simm.s32 $_size_execute0_lowered;
	s3 =	sadd.s32 s3, s5;
	[dreg:$0x0] =	wrdreg $0x0  }
0xae: {  	s5 =	sshll.u32 s28, $0x1;
	[dreg:$0x2] =	wrdreg s3  }
0xaf: {  	[dreg:$0x3] =	wrdreg s5  }
0xb0: {  	[dreg:$0x4] =	wrdreg $0xC0  }
0xb1: {  	_ =	task [dreg:s7], $0x5FFFF  }
0xb2: {  	[dreg:$0x1] =	wrdreg $0xFFFFFFFF  }
0xb3: {  	[dreg:$0x0] =	wrdreg $0x60  }
0xb4: {  	[dreg:$0x2] =	wrdreg s24  }
0xb5: {  	[dreg:$0x3] =	wrdreg s16  }
0xb6: {  	[dreg:$0x4] =	wrdreg $0x9  }
0xb7: {  	_ =	task.clear_ibuf [dreg:s7], $0x5FFFF;
	_ =	strace $0x90000049  }
0xb8: {  	s29 =	simm.s32 $0x9;
	_ =	strace $0x8000004B  }
0xb9: {  	_ =	swait.ge [sflag:s29], $0x1  }
0xba: {  	[sflag:s29] =	ssyncadd.s32 $0xFFFFFFFF  }
0xbb: {  	_ =	strace $0x9000004B  }
0xbc: {  	_ =	sfence  }
0xbd: {  	s30 =	sld [smem:$0x0];
	_ =	sdelay $0x2  }
0xbe: {  	s31 =	sshll.u32 s1, $0xD;
	s1 =	sshrl.u32 s1, $0x2  }
0xbf: {  	s3 =	sand.u32 $0x4000, s31;
	s1 =	sadd.s32 s1, s30  }
0xc0: {  	s0 =	sor.u32 s3, s0;
	s1 =	sshll.u32 s1, $0x11  }
0xc1: {  	s0 =	sor.u32 s1, s0  }
0xc2: {  	s0 =	sadd.s32 $0x8F2B, s0  }
0xc3: {  	[sflag:s0] =	ssyncadd.remote.s32 $0x1  }
0xc4: {  	_ =	sfence.sel $0xFFFF  }
0xc5: {  	[dreg:$0x0] =	wrdreg $0xFFFFFFFF;
	(pc) =	sbr.abs _section_cstart, $3  }
0xc6: {  	[dreg:$0x1] =	wrdreg $0xFFFFFFFF  }
0xc7: {  	_ =	task.clear_ibuf [dreg:s7], $0x2FFFF;
	_ =	strace $0x9FFFFFFF  }
0xc8: {  	(tm) =	ssettm $0x7FFFFFFF  }
0xc9: {  	_ =	shalt  }
tec
execute0_lowered:
.L_overlay_start_1:
0x0: {  	(tag) =	ssettag $0x1  }
0x1: {  	s0 =	rddreg [dreg:$0x0]  }
0x2: {  	s1 =	rddreg [dreg:$0x1];
	s3 =	srdreg.scid  }
0x3: {  	s2 =	simm.s32 $0x0;
	s5 =	stileid.u32;
	s26 =	simm.s32 $0x80  }
0x4: {  	s18 =	simm.s32 $0x1;
	s21 =	simm.s32 $0x1100;
	s28 =	simm.s32 $0x4100  }
0x5: {  	s29 =	simm.s32 $0x4900;
	s30 =	simm.s32 $0x5100;
	s31 =	simm.s32 $0x5900  }
0x6: {  	s11 =	simm.s32 $0x7900;
	s12 =	simm.s32 $0x8100;
	s13 =	simm.s32 $0x8900  }
0x7: {  	s14 =	simm.s32 $0x9100;
	s15 =	simm.s32 $0x9900;
	s16 =	simm.s32 $0xA100  }
0x8: {  	s17 =	simm.s32 $0xA900;
	s4 =	sand.u32 $0x1, s3;
	[smem:$0x7FF] =	sst s2  }
0x9: {  	s5 =	sshll.u32 s5, $0x8;
	s3 =	sadd.s32 $0x361200, s0;
	s22 =	sadd.s32 $0x1200, s0  }
0xa: {  	s6 =	sshll.u32 s4, $0x7;
	_ =	strace $0x8000004A;
	s4 =	ssub.s32 $0x2, s4  }
0xb: {  	[dreg:$0x7] =	wrdreg s26;
	s26 =	simm.s32 $0x3900;
	s5 =	sor.u32 s6, s5  }
0xc: {  	s10 =	sshrl.u32 s4, $0x1;
	s6 =	sadd.s32 $0x361500, s0;
	s7 =	sshrl.u32 s5, $0x3  }
0xd: {  	s8 =	sor.u32 $0x40, s5;
	s23 =	ssub.s32 s4, s10;
	s24 =	sshll.u32 s5, $0x7  }
0xe: {  	s4 =	sadd.s32 $0x361300, s0;
	s5 =	sadd.s32 $0x361400, s0;
	s0 =	simm.s32 $0x100  }
0xf: {  	s10 =	simm.s32 $0x7100;
	s7 =	sadd.s32 s1, s7;
	s9 =	sshrl.u32 s8, $0x3  }
0x10: {  	s8 =	sshll.u32 s8, $0x7;
	[dreg:$0x3] =	wrdreg s7;
	s1 =	sadd.s32 s1, s9  }
0x11: {  	s25 =	sadd.s32 s22, s8;
	s7 =	smax.u32 s23, $0x1;
	s8 =	simm.s32 $0x2  }
0x12: {  	v2 =	vlaneseq.u32;
	s23 =	simm.s32 $0x2100;
	s9 =	simm.s32 $0xB100;
	[dreg:$0x4] =	wrdreg s1  }
0x13: {  	vm0 =	vmmov $0xffff;
	v1 =	vshrl.u32 v2, $0x3;
	s1 =	sadd.s32 s22, s24;
	[dreg:$0x6] =	wrdreg s25;
	s22 =	simm.s32 $0x1900  }
0x14: {  	v0 =	vand.u32 $0x7, v2;
	v2 =	vor.u32 $0x8, v2;
	v1 =	vmul.u32 $0x8, v1;
	s24 =	simm.s32 $0x2900;
	s25 =	simm.s32 $0x3100;
	[dreg:$0x5] =	wrdreg s1  }
.LBB2_1:
0x15: {  	s19 =	rddreg [dreg:$0x3]  }
0x16: {  	[tilespmem:s2], [sflag:$0x2] =	stream.linear.gather [hbm4b:s19+s2], $0x40, $0x38;
	[tilespmem:$0x10100] =	vst v63  }
0x17: {  	_ =	swait.ge [sflag:s8], $0x40  }
0x18: {  	s1 =	rddreg [dreg:$0x4];
	[sflag:s8] =	ssyncset.done $0x0  }
0x19: {  	s20 =	rddreg [dreg:$0x7];
	[sflag:s8] =	ssyncadd.s32 $0xFFFFFFC0  }
0x1a: {  	[tilespmem:s20], [sflag:$0x2] =	stream.linear.gather [hbm4b:s1+s2], $0x40, $0x38;
	[tilespmem:$0x10100] =	vst v63  }
0x1b: {  	_ =	swait.ge [sflag:s8], $0x40  }
0x1c: {  	[sflag:s8] =	ssyncset.done $0x0  }
0x1d: {  	[sflag:s8] =	ssyncadd.s32 $0xFFFFFFC0  }
0x1e: {  	v3 =	vld [tilespmem:$0x0];
	_ =	sdelay $0x4  }
0x1f: {  	v4 =	vshll.u32 v3, $0x3  }
0x20: {  	v3 =	vand.u32 $0x7, v3;
	v4 =	vand.u32 $0xFFFFFFC0, v4  }
0x21: {  	v3 =	vor.u32 v3, v4  }
0x22: {  	v4 =	vperm.xlane v3, v0;
	_ =	sdelay $0x1  }
0x23: {  	v4 =	vadd.s32 v1, v4;
	_ =	sdelay $0x4  }
0x24: {  	[tilespmem:s0], [sflag:$0x1] =	stream.indirect_vreg.gather [hbm4b:s3+s2], $0x80, v4, vm0, $0xb8;
	[tilespmem:$0x10100] =	vst v63  }
0x25: {  	s20 =	simm.s32 $0x900;
	v3 =	vperm.xlane v3, v2  }
0x26: {  	[tilespmem:s20], [sflag:$0x1] =	stream.indirect_vreg.gather [hbm4b:s4+s2], $0x80, v4, vm0, $0xb8;
	[tilespmem:$0x10100] =	vst v63  }
0x27: {  	v3 =	vadd.s32 v1, v3  }
0x28: {  	[tilespmem:s21], [sflag:$0x1] =	stream.indirect_vreg.gather [hbm4b:s5+s2], $0x80, v4, vm0, $0xb8;
	[tilespmem:$0x10100] =	vst v63  }
0x29: {  	_ = 	snop  }
0x2a: {  	[tilespmem:s22], [sflag:$0x1] =	stream.indirect_vreg.gather [hbm4b:s6+s2], $0x80, v4, vm0, $0xb8;
	[tilespmem:$0x10100] =	vst v63  }
0x2b: {  	_ = 	snop  }
0x2c: {  	[tilespmem:s23], [sflag:$0x1] =	stream.indirect_vreg.gather [hbm4b:s3+s2], $0x80, v3, vm0, $0xb8;
	[tilespmem:$0x10100] =	vst v63  }
0x2d: {  	_ = 	snop  }
0x2e: {  	[tilespmem:s24], [sflag:$0x1] =	stream.indirect_vreg.gather [hbm4b:s4+s2], $0x80, v3, vm0, $0xb8;
	[tilespmem:$0x10100] =	vst v63  }
0x2f: {  	_ = 	snop  }
0x30: {  	[tilespmem:s25], [sflag:$0x1] =	stream.indirect_vreg.gather [hbm4b:s5+s2], $0x80, v3, vm0, $0xb8;
	[tilespmem:$0x10100] =	vst v63  }
0x31: {  	_ = 	snop  }
0x32: {  	[tilespmem:s26], [sflag:$0x1] =	stream.indirect_vreg.gather [hbm4b:s6+s2], $0x80, v3, vm0, $0xb8;
	[tilespmem:$0x10100] =	vst v63  }
0x33: {  	v3 =	vld [tilespmem:$0x10];
	_ =	sdelay $0x4  }
0x34: {  	v57 =	vshll.u32 v3, $0x3  }
0x35: {  	v3 =	vand.u32 $0x7, v3;
	v4 =	vand.u32 $0xFFFFFFC0, v57  }
0x36: {  	v3 =	vor.u32 v3, v4  }
0x37: {  	v4 =	vperm.xlane v3, v0;
	_ =	sdelay $0x1  }
0x38: {  	v4 =	vadd.s32 v1, v4;
	_ =	sdelay $0x4  }
0x39: {  	[tilespmem:s28], [sflag:$0x1] =	stream.indirect_vreg.gather [hbm4b:s3+s2], $0x80, v4, vm0, $0xb8;
	[tilespmem:$0x10100] =	vst v63  }
0x3a: {  	v3 =	vperm.xlane v3, v2  }
0x3b: {  	[tilespmem:s29], [sflag:$0x1] =	stream.indirect_vreg.gather [hbm4b:s4+s2], $0x80, v4, vm0, $0xb8;
	[tilespmem:$0x10100] =	vst v63  }
0x3c: {  	v3 =	vadd.s32 v1, v3  }
0x3d: {  	[tilespmem:s30], [sflag:$0x1] =	stream.indirect_vreg.gather [hbm4b:s5+s2], $0x80, v4, vm0, $0xb8;
	[tilespmem:$0x10100] =	vst v63  }
0x3e: {  	_ = 	snop  }
0x3f: {  	[tilespmem:s31], [sflag:$0x1] =	stream.indirect_vreg.gather [hbm4b:s6+s2], $0x80, v4, vm0, $0xb8;
	[tilespmem:$0x10100] =	vst v63  }
0x40: {  	s1 =	simm.s32 $0x6100  }
0x41: {  	[tilespmem:s1], [sflag:$0x1] =	stream.indirect_vreg.gather [hbm4b:s3+s2], $0x80, v3, vm0, $0xb8;
	[tilespmem:$0x10100] =	vst v63  }
0x42: {  	s1 =	simm.s32 $0x6900  }
0x43: {  	[tilespmem:s1], [sflag:$0x1] =	stream.indirect_vreg.gather [hbm4b:s4+s2], $0x80, v3, vm0, $0xb8;
	[tilespmem:$0x10100] =	vst v63  }
0x44: {  	_ = 	snop  }
0x45: {  	[tilespmem:s10], [sflag:$0x1] =	stream.indirect_vreg.gather [hbm4b:s5+s2], $0x80, v3, vm0, $0xb8;
	[tilespmem:$0x10100] =	vst v63  }
0x46: {  	_ = 	snop  }
0x47: {  	[tilespmem:s11], [sflag:$0x1] =	stream.indirect_vreg.gather [hbm4b:s6+s2], $0x80, v3, vm0, $0xb8;
	[tilespmem:$0x10100] =	vst v63  }
0x48: {  	v3 =	vld [tilespmem:$0x20];
	_ =	sdelay $0x4  }
0x49: {  	v58 =	vshll.u32 v3, $0x3  }
0x4a: {  	v3 =	vand.u32 $0x7, v3;
	v4 =	vand.u32 $0xFFFFFFC0, v58  }
0x4b: {  	v3 =	vor.u32 v3, v4  }
0x4c: {  	v4 =	vperm.xlane v3, v0;
	_ =	sdelay $0x1  }
0x4d: {  	v4 =	vadd.s32 v1, v4;
	_ =	sdelay $0x4  }
0x4e: {  	[tilespmem:s12], [sflag:$0x1] =	stream.indirect_vreg.gather [hbm4b:s3+s2], $0x80, v4, vm0, $0xb8;
	[tilespmem:$0x10100] =	vst v63  }
0x4f: {  	v3 =	vperm.xlane v3, v2  }
0x50: {  	[tilespmem:s13], [sflag:$0x1] =	stream.indirect_vreg.gather [hbm4b:s4+s2], $0x80, v4, vm0, $0xb8;
	[tilespmem:$0x10100] =	vst v63  }
0x51: {  	v3 =	vadd.s32 v1, v3  }
0x52: {  	[tilespmem:s14], [sflag:$0x1] =	stream.indirect_vreg.gather [hbm4b:s5+s2], $0x80, v4, vm0, $0xb8;
	[tilespmem:$0x10100] =	vst v63  }
0x53: {  	_ = 	snop  }
0x54: {  	[tilespmem:s15], [sflag:$0x1] =	stream.indirect_vreg.gather [hbm4b:s6+s2], $0x80, v4, vm0, $0xb8;
	[tilespmem:$0x10100] =	vst v63  }
0x55: {  	_ = 	snop  }
0x56: {  	[tilespmem:s16], [sflag:$0x1] =	stream.indirect_vreg.gather [hbm4b:s3+s2], $0x80, v3, vm0, $0xb8;
	[tilespmem:$0x10100] =	vst v63  }
0x57: {  	_ = 	snop  }
0x58: {  	[tilespmem:s17], [sflag:$0x1] =	stream.indirect_vreg.gather [hbm4b:s4+s2], $0x80, v3, vm0, $0xb8;
	[tilespmem:$0x10100] =	vst v63  }
0x59: {  	_ = 	snop  }
0x5a: {  	[tilespmem:s9], [sflag:$0x1] =	stream.indirect_vreg.gather [hbm4b:s5+s2], $0x80, v3, vm0, $0xb8;
	[tilespmem:$0x10100] =	vst v63  }
0x5b: {  	s19 =	simm.s32 $0xB900  }
0x5c: {  	[tilespmem:s19], [sflag:$0x1] =	stream.indirect_vreg.gather [hbm4b:s6+s2], $0x80, v3, vm0, $0xb8;
	[tilespmem:$0x10100] =	vst v63  }
0x5d: {  	v3 =	vld [tilespmem:$0x30];
	_ =	sdelay $0x4  }
0x5e: {  	v59 =	vshll.u32 v3, $0x3  }
0x5f: {  	v3 =	vand.u32 $0x7, v3;
	v4 =	vand.u32 $0xFFFFFFC0, v59  }
0x60: {  	v3 =	vor.u32 v3, v4  }
0x61: {  	v4 =	vperm.xlane v3, v0;
	_ =	sdelay $0x1  }
0x62: {  	v4 =	vadd.s32 v1, v4;
	_ =	sdelay $0x3  }
0x63: {  	s19 =	simm.s32 $0xC100  }
0x64: {  	[tilespmem:s19], [sflag:$0x1] =	stream.indirect_vreg.gather [hbm4b:s3+s2], $0x80, v4, vm0, $0xb8;
	[tilespmem:$0x10100] =	vst v63  }
0x65: {  	v3 =	vperm.xlane v3, v2;
	s19 =	simm.s32 $0xC900  }
0x66: {  	[tilespmem:s19], [sflag:$0x1] =	stream.indirect_vreg.gather [hbm4b:s4+s2], $0x80, v4, vm0, $0xb8;
	[tilespmem:$0x10100] =	vst v63  }
0x67: {  	v3 =	vadd.s32 v1, v3;
	s19 =	simm.s32 $0xD100  }
0x68: {  	[tilespmem:s19], [sflag:$0x1] =	stream.indirect_vreg.gather [hbm4b:s5+s2], $0x80, v4, vm0, $0xb8;
	[tilespmem:$0x10100] =	vst v63  }
0x69: {  	s19 =	simm.s32 $0xD900  }
0x6a: {  	[tilespmem:s19], [sflag:$0x1] =	stream.indirect_vreg.gather [hbm4b:s6+s2], $0x80, v4, vm0, $0xb8;
	[tilespmem:$0x10100] =	vst v63  }
0x6b: {  	s19 =	simm.s32 $0xE100  }
0x6c: {  	[tilespmem:s19], [sflag:$0x1] =	stream.indirect_vreg.gather [hbm4b:s3+s2], $0x80, v3, vm0, $0xb8;
	[tilespmem:$0x10100] =	vst v63  }
0x6d: {  	s19 =	simm.s32 $0xE900  }
0x6e: {  	[tilespmem:s19], [sflag:$0x1] =	stream.indirect_vreg.gather [hbm4b:s4+s2], $0x80, v3, vm0, $0xb8;
	[tilespmem:$0x10100] =	vst v63  }
0x6f: {  	s19 =	simm.s32 $0xF100  }
0x70: {  	[tilespmem:s19], [sflag:$0x1] =	stream.indirect_vreg.gather [hbm4b:s5+s2], $0x80, v3, vm0, $0xb8;
	[tilespmem:$0x10100] =	vst v63  }
0x71: {  	s19 =	simm.s32 $0xF900  }
0x72: {  	[tilespmem:s19], [sflag:$0x1] =	stream.indirect_vreg.gather [hbm4b:s6+s2], $0x80, v3, vm0, $0xb8;
	[tilespmem:$0x10100] =	vst v63  }
0x73: {  	_ =	swait.ge [sflag:s18], $0x10000  }
0x74: {  	[sflag:s18] =	ssyncset.done $0x0  }
0x75: {  	s19 =	rddreg [dreg:$0x5];
	[sflag:s18] =	ssyncadd.s32 $0xFFFF0000  }
0x76: {  	[hbm4b:s19+s2] =	stream.linear.scatter [tilespmem:s0], [sflag:$0x2], $0x10000, $0x38;
	[tilespmem:$0x10100] =	vst v63  }
0x77: {  	_ =	swait.ge [sflag:s8], $0x10000  }
0x78: {  	[sflag:s8] =	ssyncset.done $0x0  }
0x79: {  	[sflag:s8] =	ssyncadd.s32 $0xFFFF0000  }
0x7a: {  	v3 =	vld [tilespmem:$0x80];
	_ =	sdelay $0x4  }
0x7b: {  	v60 =	vshll.u32 v3, $0x3  }
0x7c: {  	v3 =	vand.u32 $0x7, v3;
	v4 =	vand.u32 $0xFFFFFFC0, v60  }
0x7d: {  	v3 =	vor.u32 v3, v4  }
0x7e: {  	v4 =	vperm.xlane v3, v0;
	_ =	sdelay $0x1  }
0x7f: {  	v4 =	vadd.s32 v1, v4;
	_ =	sdelay $0x4  }
0x80: {  	[tilespmem:s0], [sflag:$0x1] =	stream.indirect_vreg.gather [hbm4b:s3+s2], $0x80, v4, vm0, $0xb8;
	[tilespmem:$0x10100] =	vst v63  }
0x81: {  	v3 =	vperm.xlane v3, v2  }
0x82: {  	[tilespmem:s20], [sflag:$0x1] =	stream.indirect_vreg.gather [hbm4b:s4+s2], $0x80, v4, vm0, $0xb8;
	[tilespmem:$0x10100] =	vst v63  }
0x83: {  	v3 =	vadd.s32 v1, v3  }
0x84: {  	[tilespmem:s21], [sflag:$0x1] =	stream.indirect_vreg.gather [hbm4b:s5+s2], $0x80, v4, vm0, $0xb8;
	[tilespmem:$0x10100] =	vst v63  }
0x85: {  	_ = 	snop  }
0x86: {  	[tilespmem:s22], [sflag:$0x1] =	stream.indirect_vreg.gather [hbm4b:s6+s2], $0x80, v4, vm0, $0xb8;
	[tilespmem:$0x10100] =	vst v63  }
0x87: {  	_ = 	snop  }
0x88: {  	[tilespmem:s23], [sflag:$0x1] =	stream.indirect_vreg.gather [hbm4b:s3+s2], $0x80, v3, vm0, $0xb8;
	[tilespmem:$0x10100] =	vst v63  }
0x89: {  	_ = 	snop  }
0x8a: {  	[tilespmem:s24], [sflag:$0x1] =	stream.indirect_vreg.gather [hbm4b:s4+s2], $0x80, v3, vm0, $0xb8;
	[tilespmem:$0x10100] =	vst v63  }
0x8b: {  	_ = 	snop  }
0x8c: {  	[tilespmem:s25], [sflag:$0x1] =	stream.indirect_vreg.gather [hbm4b:s5+s2], $0x80, v3, vm0, $0xb8;
	[tilespmem:$0x10100] =	vst v63  }
0x8d: {  	_ = 	snop  }
0x8e: {  	[tilespmem:s26], [sflag:$0x1] =	stream.indirect_vreg.gather [hbm4b:s6+s2], $0x80, v3, vm0, $0xb8;
	[tilespmem:$0x10100] =	vst v63  }
0x8f: {  	v3 =	vld [tilespmem:$0x90];
	_ =	sdelay $0x4  }
0x90: {  	v61 =	vshll.u32 v3, $0x3  }
0x91: {  	v3 =	vand.u32 $0x7, v3;
	v4 =	vand.u32 $0xFFFFFFC0, v61  }
0x92: {  	v3 =	vor.u32 v3, v4  }
0x93: {  	v4 =	vperm.xlane v3, v0;
	_ =	sdelay $0x1  }
0x94: {  	v4 =	vadd.s32 v1, v4;
	_ =	sdelay $0x4  }
0x95: {  	[tilespmem:s28], [sflag:$0x1] =	stream.indirect_vreg.gather [hbm4b:s3+s2], $0x80, v4, vm0, $0xb8;
	[tilespmem:$0x10100] =	vst v63  }
0x96: {  	v3 =	vperm.xlane v3, v2  }
0x97: {  	[tilespmem:s29], [sflag:$0x1] =	stream.indirect_vreg.gather [hbm4b:s4+s2], $0x80, v4, vm0, $0xb8;
	[tilespmem:$0x10100] =	vst v63  }
0x98: {  	v3 =	vadd.s32 v1, v3  }
0x99: {  	[tilespmem:s30], [sflag:$0x1] =	stream.indirect_vreg.gather [hbm4b:s5+s2], $0x80, v4, vm0, $0xb8;
	[tilespmem:$0x10100] =	vst v63  }
0x9a: {  	_ = 	snop  }
0x9b: {  	[tilespmem:s31], [sflag:$0x1] =	stream.indirect_vreg.gather [hbm4b:s6+s2], $0x80, v4, vm0, $0xb8;
	[tilespmem:$0x10100] =	vst v63  }
0x9c: {  	s20 =	simm.s32 $0x6100  }
0x9d: {  	[tilespmem:s20], [sflag:$0x1] =	stream.indirect_vreg.gather [hbm4b:s3+s2], $0x80, v3, vm0, $0xb8;
	[tilespmem:$0x10100] =	vst v63  }
0x9e: {  	_ = 	snop  }
0x9f: {  	[tilespmem:s1], [sflag:$0x1] =	stream.indirect_vreg.gather [hbm4b:s4+s2], $0x80, v3, vm0, $0xb8;
	[tilespmem:$0x10100] =	vst v63  }
0xa0: {  	_ = 	snop  }
0xa1: {  	[tilespmem:s10], [sflag:$0x1] =	stream.indirect_vreg.gather [hbm4b:s5+s2], $0x80, v3, vm0, $0xb8;
	[tilespmem:$0x10100] =	vst v63  }
0xa2: {  	_ = 	snop  }
0xa3: {  	[tilespmem:s11], [sflag:$0x1] =	stream.indirect_vreg.gather [hbm4b:s6+s2], $0x80, v3, vm0, $0xb8;
	[tilespmem:$0x10100] =	vst v63  }
0xa4: {  	v3 =	vld [tilespmem:$0xA0];
	_ =	sdelay $0x4  }
0xa5: {  	v62 =	vshll.u32 v3, $0x3  }
0xa6: {  	v3 =	vand.u32 $0x7, v3;
	v4 =	vand.u32 $0xFFFFFFC0, v62  }
0xa7: {  	v3 =	vor.u32 v3, v4  }
0xa8: {  	v4 =	vperm.xlane v3, v0;
	_ =	sdelay $0x1  }
0xa9: {  	v4 =	vadd.s32 v1, v4;
	_ =	sdelay $0x4  }
0xaa: {  	[tilespmem:s12], [sflag:$0x1] =	stream.indirect_vreg.gather [hbm4b:s3+s2], $0x80, v4, vm0, $0xb8;
	[tilespmem:$0x10100] =	vst v63  }
0xab: {  	v3 =	vperm.xlane v3, v2  }
0xac: {  	[tilespmem:s13], [sflag:$0x1] =	stream.indirect_vreg.gather [hbm4b:s4+s2], $0x80, v4, vm0, $0xb8;
	[tilespmem:$0x10100] =	vst v63  }
0xad: {  	v3 =	vadd.s32 v1, v3  }
0xae: {  	[tilespmem:s14], [sflag:$0x1] =	stream.indirect_vreg.gather [hbm4b:s5+s2], $0x80, v4, vm0, $0xb8;
	[tilespmem:$0x10100] =	vst v63  }
0xaf: {  	_ = 	snop  }
0xb0: {  	[tilespmem:s15], [sflag:$0x1] =	stream.indirect_vreg.gather [hbm4b:s6+s2], $0x80, v4, vm0, $0xb8;
	[tilespmem:$0x10100] =	vst v63  }
0xb1: {  	_ = 	snop  }
0xb2: {  	[tilespmem:s16], [sflag:$0x1] =	stream.indirect_vreg.gather [hbm4b:s3+s2], $0x80, v3, vm0, $0xb8;
	[tilespmem:$0x10100] =	vst v63  }
0xb3: {  	_ = 	snop  }
0xb4: {  	[tilespmem:s17], [sflag:$0x1] =	stream.indirect_vreg.gather [hbm4b:s4+s2], $0x80, v3, vm0, $0xb8;
	[tilespmem:$0x10100] =	vst v63  }
0xb5: {  	_ = 	snop  }
0xb6: {  	[tilespmem:s9], [sflag:$0x1] =	stream.indirect_vreg.gather [hbm4b:s5+s2], $0x80, v3, vm0, $0xb8;
	[tilespmem:$0x10100] =	vst v63  }
0xb7: {  	s19 =	simm.s32 $0xB900  }
0xb8: {  	[tilespmem:s19], [sflag:$0x1] =	stream.indirect_vreg.gather [hbm4b:s6+s2], $0x80, v3, vm0, $0xb8;
	[tilespmem:$0x10100] =	vst v63  }
0xb9: {  	v3 =	vld [tilespmem:$0xB0];
	_ =	sdelay $0x4  }
0xba: {  	v63 =	vshll.u32 v3, $0x3  }
0xbb: {  	v3 =	vand.u32 $0x7, v3;
	v4 =	vand.u32 $0xFFFFFFC0, v63  }
0xbc: {  	v3 =	vor.u32 v3, v4  }
0xbd: {  	v4 =	vperm.xlane v3, v0;
	_ =	sdelay $0x1  }
0xbe: {  	v4 =	vadd.s32 v1, v4;
	_ =	sdelay $0x3  }
0xbf: {  	s20 =	simm.s32 $0xC100  }
0xc0: {  	[tilespmem:s20], [sflag:$0x1] =	stream.indirect_vreg.gather [hbm4b:s3+s2], $0x80, v4, vm0, $0xb8;
	[tilespmem:$0x10100] =	vst v63  }
0xc1: {  	s19 =	simm.s32 $0xC900;
	v3 =	vperm.xlane v3, v2  }
0xc2: {  	[tilespmem:s19], [sflag:$0x1] =	stream.indirect_vreg.gather [hbm4b:s4+s2], $0x80, v4, vm0, $0xb8;
	[tilespmem:$0x10100] =	vst v63  }
0xc3: {  	v3 =	vadd.s32 v1, v3;
	s20 =	simm.s32 $0xD100  }
0xc4: {  	[tilespmem:s20], [sflag:$0x1] =	stream.indirect_vreg.gather [hbm4b:s5+s2], $0x80, v4, vm0, $0xb8;
	[tilespmem:$0x10100] =	vst v63  }
0xc5: {  	s19 =	simm.s32 $0xD900  }
0xc6: {  	[tilespmem:s19], [sflag:$0x1] =	stream.indirect_vreg.gather [hbm4b:s6+s2], $0x80, v4, vm0, $0xb8;
	[tilespmem:$0x10100] =	vst v63  }
0xc7: {  	s20 =	simm.s32 $0xE100  }
0xc8: {  	[tilespmem:s20], [sflag:$0x1] =	stream.indirect_vreg.gather [hbm4b:s3+s2], $0x80, v3, vm0, $0xb8;
	[tilespmem:$0x10100] =	vst v63  }
0xc9: {  	s19 =	simm.s32 $0xE900  }
0xca: {  	[tilespmem:s19], [sflag:$0x1] =	stream.indirect_vreg.gather [hbm4b:s4+s2], $0x80, v3, vm0, $0xb8;
	[tilespmem:$0x10100] =	vst v63  }
0xcb: {  	s20 =	simm.s32 $0xF100  }
0xcc: {  	[tilespmem:s20], [sflag:$0x1] =	stream.indirect_vreg.gather [hbm4b:s5+s2], $0x80, v3, vm0, $0xb8;
	[tilespmem:$0x10100] =	vst v63  }
0xcd: {  	s19 =	simm.s32 $0xF900  }
0xce: {  	[tilespmem:s19], [sflag:$0x1] =	stream.indirect_vreg.gather [hbm4b:s6+s2], $0x80, v3, vm0, $0xb8;
	[tilespmem:$0x10100] =	vst v63  }
0xcf: {  	_ =	swait.ge [sflag:s18], $0x10000  }
0xd0: {  	p0 =	sne.s32 s7, $0x1;
	[sflag:s18] =	ssyncset.done $0x0  }
.Ltmp0:
0xd1: {  	s20 =	rddreg [dreg:$0x6];
	[sflag:s18] =	ssyncadd.s32 $0xFFFF0000;
	(pc) =	sbr.rel @p0 .LBB2_1-.Ltmp0, $4  }
0xd2: {  	[hbm4b:s20+s2] =	stream.linear.scatter [tilespmem:s0], [sflag:$0x2], $0x10000, $0x38;
	[tilespmem:$0x10100] =	vst v63  }
0xd3: {  	_ =	swait.ge [sflag:s8], $0x10000  }
0xd4: {  	[sflag:s8] =	ssyncset.done $0x0  }
0xd5: {  	s7 =	sadd.s32 $0xFFFFFFFF, s7;
	[sflag:s8] =	ssyncadd.s32 $0xFFFF0000  }
0xd6: {  	_ =	sfence.sel $0x180000  }
0xd7: {  	[bflag:$0x0] =	sbarrier.arrive $0xFFFF  }
0xd8: {  	_ =	strace $0x9000004A  }
0xd9: {  	s0 =	stileid.u32;
	[bflag:$0x2] =	sbarrier.arrive $0xFFFF  }
0xda: {  	p0 =	sne.s32 s0, $0x0;
	s0 =	rddreg [dreg:$0x2]  }
0xdb: {  	s0 =	sadd.s32 @!p0 $0x100000, s0  }
0xdc: {  	[sflag:s0] =	ssyncadd.tile.s32 @!p0 $0x1;
	_ =	shalt  }
.Lfunc_end2:
_tile_overlayer_lowered:
.L_overlay_start_2:
0xdd: {  	(tag) =	ssettag $0x2  }
0xde: {  	s0 =	rddreg [dreg:$0x0];
	s2 =	stileid.u32  }
0xdf: {  	s1 =	rddreg [dreg:$0x1];
	p0 =	sne.s32 s2, $0x0  }
0xe0: {  	s3 =	rddreg [dreg:$0x2];
	[bflag:$0x3] =	sbarrier.arrive $0xFFFF;
	s2 =	simm.s32 @!p0 $0x1C02  }
0xe1: {  	[timem:s3], [sflag:s2] =	dma.local @!p0 [hbm:s0], s1  }
0xe2: {  	s0 =	simm.s32 @!p0 $0x2  }
0xe3: {  	_ =	swait.ge @!p0 [sflag:s0], s1  }
0xe4: {  	s1 =	ssub.s32 @!p0 $0x0, s1;
	[sflag:s0] =	ssyncset.done @!p0 $0x0  }
0xe5: {  	[sflag:s0] =	ssyncadd.s32 @!p0 s1  }
0xe6: {  	[bflag:$0x3] =	sbarrier.arrive $0xFFFF  }
0xe7: {  	_ =	shalt  }

// kernel: kernel.7.cloned.1.call-start
scs
__scs_entry_jumppad:
0x0: {  	(pc) =	sbr.rel $0x88, $3  }
0x1: {  	(tag) =	ssettag $0x0;
	lr =	simm.s32 $0x1  }
0x2: {  	[smem:$0x3F9C] =	sst lr;
	_ =	strace $0xD0000000  }
0x3: {  	_ = 	snop  }
0x4: {  	_ = 	snop  }
0x5: {  	_ = 	snop  }
0x6: {  	_ = 	snop  }
0x7: {  	_ = 	snop  }
__scs_overlays_trampoline_lowered:
0x8: {  	[smem:$0x3FAB] =	sst s0  }
0x9: {  	[smem:$0x3FAC] =	sst s1  }
0xa: {  	[smem:$0x3FAD] =	sst s2  }
0xb: {  	[smem:$0x3FAE] =	sst s3  }
0xc: {  	[smem:$0x3FAF] =	sst s4  }
0xd: {  	[smem:$0x3FB0] =	sst s5  }
0xe: {  	[smem:$0x3FB1] =	sst s6  }
0xf: {  	[smem:$0x3FB2] =	sst s7  }
0x10: {  	[smem:$0x3FB3] =	sst s8  }
0x11: {  	[smem:$0x3FB4] =	sst s9;
	s0 =	simm.s32 @!p0 $0x0  }
0x12: {  	s1 =	sld [smem:$0x3F9A];
	s0 =	simm.s32 @p0 $0x1  }
0x13: {  	[smem:$0x3FB5] =	sst s0;
	s0 =	simm.s32 @!p1 $0x0  }
0x14: {  	s2 =	sld [smem:$0x3F99];
	s0 =	simm.s32 @p1 $0x1  }
0x15: {  	[smem:$0x3FB6] =	sst s0;
	s0 =	simm.s32 @!p2 $0x0  }
0x16: {  	s3 =	sld [smem:$0x3FDB];
	s0 =	simm.s32 @p2 $0x1  }
0x17: {  	s4 =	simm.s32 $0x1BF5;
	[smem:$0x3FB8] =	sst s0  }
0x18: {  	s0 =	sld [smem:$0x3F9B];
	_ =	swait.ge [sflag:s4], $0x0  }
0x19: {  	s7 =	sld [smem:$0x3F9C]  }
0x1a: {  	s8 =	sadd.s32 $0xFFFFE003, lr  }
0x1b: {  	s9 =	sadd.s32 $0xFFFFFEF7, lr;
	s5 =	simm.s32 $0xFFFFFFFF;
	p2 =	slt.u32 s8, $0xFFFFF086  }
0x1c: {  	p1 =	slt.u32 s9, $0xF7A;
	s5 =	simm.s32 @!p2 $0x0  }
0x1d: {  	s5 =	simm.s32 @p1 $0x1;
	p0 =	seq.s32 s7, s2  }
0x1e: {  	s7 =	smul.u32 @!p0 $0xF7A, s2;
	p2 =	seq.s32 @!p0 s5, $0x0  }
0x1f: {  	s9 =	smul.u32 $0xF7A, s1;
	s8 =	simm.s32 @!p0 $0x1BF5;
	p2 =	por !p2, p0  }
0x20: {  	[sflag:s8] =	ssyncset.s32 @!p0 $0xFFFFF086;
	s6 =	sadd.s32 @!p0 s3, s7;
	s7 =	simm.s32 @!p0 $0x108  }
0x21: {  	s3 =	sadd.s32 s3, s9;
	s6 =	sadd.s32 @!p0 $0x88, s6;
	s7 =	simm.s32 @p2 $0x1082  }
0x22: {  	[simem:s7], [sflag:s8] =	dma.local @!p0 [hbm:s6], $0xF7A  }
0x23: {  	s9 =	sor.u32 $0xD0000000, s2;
	s6 =	simm.s32 $0x108;
	_ =	swait.ge @!p0 [sflag:s8], $0x0  }
0x24: {  	s3 =	sadd.s32 $0x88, s3;
	s6 =	simm.s32 @!p1 $0x1082;
	[sflag:s4] =	ssyncset.s32 $0xFFFFF086  }
0x25: {  	[simem:s6], [sflag:s4] =	dma.local [hbm:s3], $0xF7A  }
0x26: {  	[smem:$0x3F9C] =	sst s1;
	(tag) =	ssettag s2;
	_ =	strace s9  }
0x27: {  	s1 =	sld [smem:$0x3FAC]  }
0x28: {  	s2 =	sld [smem:$0x3FAD]  }
0x29: {  	s4 =	sld [smem:$0x3FAF]  }
0x2a: {  	p0 =	seq.s32 s5, $0x0;
	s5 =	sld [smem:$0x3FB0]  }
0x2b: {  	s6 =	sld [smem:$0x3FB1]  }
0x2c: {  	s7 =	sld [smem:$0x3FB2]  }
0x2d: {  	s3 =	simm.s32 $0x108;
	s8 =	sld [smem:$0x3FB3]  }
0x2e: {  	s3 =	simm.s32 @!p0 $0x1082;
	s9 =	sld [smem:$0x3FB4]  }
0x2f: {  	lr =	sadd.s32 s0, s3;
	s0 =	sld [smem:$0x3FAB]  }
0x30: {  	s3 =	sld [smem:$0x3FAE]  }
0x31: {  	[smem:$0x3FB7] =	sst s10  }
0x32: {  	s10 =	sld [smem:$0x3FB5];
	_ =	sdelay $0x3  }
0x33: {  	p0 =	seq.s32 s10, $0x1;
	s10 =	sld [smem:$0x3FB7];
	_ =	sdelay $0x3  }
0x34: {  	[smem:$0x3FB7] =	sst s10  }
0x35: {  	s10 =	sld [smem:$0x3FB6];
	_ =	sdelay $0x3  }
0x36: {  	p1 =	seq.s32 s10, $0x1;
	s10 =	sld [smem:$0x3FB7];
	_ =	sdelay $0x3  }
0x37: {  	[smem:$0x3FB7] =	sst s10  }
0x38: {  	s10 =	sld [smem:$0x3FB8]  }
0x39: {  	_ = 	snop;
	(pc) =	sbr.ind lr, $3  }
0x3a: {  	_ = 	snop  }
0x3b: {  	_ = 	snop  }
0x3c: {  	p2 =	seq.s32 s10, $0x1;
	s10 =	sld [smem:$0x3FB7]  }
0x3d: {  	_ =	shalt  }
0x3e: {  	_ =	shalt  }
0x3f: {  	_ =	shalt  }
0x40: {  	_ =	shalt  }
0x41: {  	_ =	shalt  }
0x42: {  	_ =	shalt  }
0x43: {  	_ =	shalt  }
0x44: {  	_ =	shalt  }
0x45: {  	_ =	shalt  }
0x46: {  	_ =	shalt  }
0x47: {  	_ =	shalt  }
0x48: {  	_ =	shalt  }
0x49: {  	_ =	shalt  }
0x4a: {  	_ =	shalt  }
0x4b: {  	_ =	shalt  }
0x4c: {  	_ =	shalt  }
0x4d: {  	_ =	shalt  }
0x4e: {  	_ =	shalt  }
0x4f: {  	_ =	shalt  }
0x50: {  	_ =	shalt  }
0x51: {  	_ =	shalt  }
0x52: {  	_ =	shalt  }
0x53: {  	_ =	shalt  }
0x54: {  	_ =	shalt  }
0x55: {  	_ =	shalt  }
0x56: {  	_ =	shalt  }
0x57: {  	_ =	shalt  }
0x58: {  	_ =	shalt  }
0x59: {  	_ =	shalt  }
0x5a: {  	_ =	shalt  }
0x5b: {  	_ =	shalt  }
0x5c: {  	_ =	shalt  }
0x5d: {  	_ =	shalt  }
0x5e: {  	_ =	shalt  }
0x5f: {  	_ =	shalt  }
0x60: {  	_ =	shalt  }
0x61: {  	_ =	shalt  }
0x62: {  	_ =	shalt  }
0x63: {  	_ =	shalt  }
0x64: {  	_ =	shalt  }
0x65: {  	_ =	shalt  }
0x66: {  	_ =	shalt  }
0x67: {  	_ =	shalt  }
0x68: {  	_ =	shalt  }
0x69: {  	_ =	shalt  }
0x6a: {  	_ =	shalt  }
0x6b: {  	_ =	shalt  }
0x6c: {  	_ =	shalt  }
0x6d: {  	_ =	shalt  }
0x6e: {  	_ =	shalt  }
0x6f: {  	_ =	shalt  }
0x70: {  	_ =	shalt  }
0x71: {  	_ =	shalt  }
0x72: {  	_ =	shalt  }
0x73: {  	_ =	shalt  }
0x74: {  	_ =	shalt  }
0x75: {  	_ =	shalt  }
0x76: {  	_ =	shalt  }
0x77: {  	_ =	shalt  }
0x78: {  	_ =	shalt  }
0x79: {  	_ =	shalt  }
0x7a: {  	_ =	shalt  }
0x7b: {  	_ =	shalt  }
0x7c: {  	_ =	shalt  }
0x7d: {  	_ =	shalt  }
0x7e: {  	_ =	shalt  }
0x7f: {  	_ =	shalt  }
0x80: {  	_ =	shalt  }
0x81: {  	_ =	shalt  }
0x82: {  	_ =	shalt  }
0x83: {  	_ =	shalt  }
0x84: {  	_ =	shalt  }
0x85: {  	_ =	shalt  }
0x86: {  	_ =	shalt  }
0x87: {  	_ =	shalt  }
.Lfunc_end0:
.L_simem_size_0:
called_computation_lowered:
.L_overlay_start_0:
0x88: {  	s2 =	sld [smem:$0x3FD9]  }
0x89: {  	s3 =	sld [smem:$0x3FFE];
	_ =	sdelay $0x1  }
0x8a: {  	s1 =	srdreg.scid  }
0x8b: {  	s0 =	sand.u32 $0x1, s1  }
0x8c: {  	s14 =	sshll.u32 s0, $0xA;
	s2 =	sadd.s32 s3, s2  }
0x8d: {  	s2 =	sadd.s32 s2, s14  }
0x8e: {  	[smem:$0x3FC3] =	sst s2  }
0x8f: {  	_ = 	snop  }
0x90: {  	s2 =	sld [smem:$0x3FD0];
	_ =	sdelay $0x2  }
0x91: {  	s4 =	simm.s32 $0xA;
	s5 =	simm.s32 $0x10;
	s15 =	sld [smem:$0x3FC9]  }
0x92: {  	[smem:s5], [sflag:s4] =	dma.local [hbm:s2], $0x1  }
0x93: {  	_ =	swait.eq [sflag:s4], $0x1  }
0x94: {  	[sflag:s4] =	ssyncset.done $0x0  }
0x95: {  	[sflag:s4] =	ssyncadd.s32 $0xFFFFFFFF  }
0x96: {  	s16 =	sld [smem:$0x10];
	(tm) =	ssettm $0x1  }
0x97: {  	s17 =	sld [smem:$0x3FFB];
	_ =	sdelay $0x3  }
0x98: {  	_ =	strace s17  }
0x99: {  	s4 =	sld [smem:$0x3FFC];
	_ =	sdelay $0x3  }
0x9a: {  	_ =	strace s4  }
0x9b: {  	s4 =	sld [smem:$0x3FFD];
	_ =	sdelay $0x3  }
0x9c: {  	_ =	strace s4  }
0x9d: {  	_ =	strace $0x8FFFFFFF  }
0x9e: {  	s18 =	sld [smem:$0x3FDB];
	_ =	sdelay $0x1  }
0x9f: {  	s19 =	simm.s32 $_scs_section_size  }
0xa0: {  	s6 =	simm.s32 $_size__tile_overlayer_lowered;
	s7 =	simm.s32 $_tile_overlayer_lowered  }
0xa1: {  	s22 =	simm.s32 $0x1BFF;
	s21 =	sshll.u32 s7, $0x1;
	s4 =	sadd.s32 s19, s18  }
0xa2: {  	s8 =	simm.s32 $0x0;
	s20 =	sshll.u32 s6, $0x1;
	s6 =	sadd.s32 s21, s4  }
0xa3: {  	[timem:s8], [sflag:s22] =	dma.local [hbm:s6], s20  }
0xa4: {  	_ =	swait.ge [sflag:s22], s20  }
0xa5: {  	s5 =	ssub.s32 $0x0, s20;
	[sflag:s22] =	ssyncset.done $0x0  }
0xa6: {  	[sflag:s22] =	ssyncadd.s32 s5;
	_ =	sdelay $0x1  }
0xa7: {  	s23 =	simm.s32 $0x1B8B  }
0xa8: {  	_ =	swait.ge [sflag:s23], $0x1  }
0xa9: {  	[sflag:s23] =	ssyncset.done $0x0  }
0xaa: {  	s25 =	simm.s32 $0x1B8E;
	s24 =	sld [smem:$0x3FFE];
	[sflag:s23] =	ssyncadd.s32 $0xFFFFFFFF  }
0xab: {  	s26 =	simm.s32 $execute0_lowered;
	[smem:$0x3FD2] =	sst s25  }
0xac: {  	s6 =	sshll.u32 s26, $0x1;
	_ =	strace $0x80000046;
	[dreg:$0x1] =	wrdreg $0xFFFFFFFF  }
0xad: {  	s28 =	simm.s32 $_size_execute0_lowered;
	s4 =	sadd.s32 s4, s6;
	[dreg:$0x0] =	wrdreg $0x0  }
0xae: {  	s6 =	sshll.u32 s28, $0x1;
	[dreg:$0x2] =	wrdreg s4  }
0xaf: {  	[dreg:$0x3] =	wrdreg s6  }
0xb0: {  	[dreg:$0x4] =	wrdreg $0xC0  }
0xb1: {  	_ =	task [dreg:s8], $0x5FFFF  }
0xb2: {  	[dreg:$0x1] =	wrdreg $0xFFFFFFFF  }
0xb3: {  	[dreg:$0x0] =	wrdreg $0x60  }
0xb4: {  	[dreg:$0x2] =	wrdreg s15  }
0xb5: {  	[dreg:$0x3] =	wrdreg s16  }
0xb6: {  	[dreg:$0x4] =	wrdreg s24  }
0xb7: {  	[dreg:$0x5] =	wrdreg $0x9  }
0xb8: {  	_ =	task.clear_ibuf [dreg:s8], $0x6FFFF;
	_ =	strace $0x90000046  }
0xb9: {  	s29 =	simm.s32 $0x9;
	_ =	strace $0x80000048  }
0xba: {  	_ =	swait.ge [sflag:s29], $0x1  }
0xbb: {  	[sflag:s29] =	ssyncadd.s32 $0xFFFFFFFF  }
0xbc: {  	_ =	strace $0x90000048  }
0xbd: {  	_ =	sfence  }
0xbe: {  	s30 =	sld [smem:$0x0];
	_ =	sdelay $0x2  }
0xbf: {  	s31 =	sshll.u32 s1, $0xD;
	s1 =	sshrl.u32 s1, $0x2  }
0xc0: {  	s3 =	sand.u32 $0x4000, s31;
	s1 =	sadd.s32 s1, s30  }
0xc1: {  	s0 =	sor.u32 s3, s0;
	s1 =	sshll.u32 s1, $0x11  }
0xc2: {  	s0 =	sor.u32 s1, s0  }
0xc3: {  	s0 =	sadd.s32 $0x8F2B, s0  }
0xc4: {  	[sflag:s0] =	ssyncadd.remote.s32 $0x1  }
0xc5: {  	_ =	sfence.sel $0xFFFF  }
0xc6: {  	[dreg:$0x0] =	wrdreg $0xFFFFFFFF;
	(pc) =	sbr.abs _section_cstart, $3  }
0xc7: {  	[dreg:$0x1] =	wrdreg $0xFFFFFFFF  }
0xc8: {  	_ =	task.clear_ibuf [dreg:s8], $0x2FFFF;
	_ =	strace $0x9FFFFFFF  }
0xc9: {  	(tm) =	ssettm $0x7FFFFFFF  }
tec
execute0_lowered:
.L_overlay_start_1:
0x0: {  	(tag) =	ssettag $0x1  }
0x1: {  	s0 =	rddreg [dreg:$0x0]  }
0x2: {  	s1 =	rddreg [dreg:$0x1]  }
0x3: {  	s4 =	rddreg [dreg:$0x2]  }
0x4: {  	s2 =	srdreg.scid;
	s3 =	stileid.u32;
	s26 =	simm.s32 $0x80  }
0x5: {  	s10 =	simm.s32 $0x2;
	s20 =	simm.s32 $0x1;
	s23 =	simm.s32 $0x1100  }
0x6: {  	s28 =	simm.s32 $0x3100;
	s29 =	simm.s32 $0x3900;
	s30 =	simm.s32 $0x4100  }
0x7: {  	s31 =	simm.s32 $0x4900;
	s12 =	simm.s32 $0x7100;
	s13 =	simm.s32 $0x7900  }
0x8: {  	s14 =	simm.s32 $0x8100;
	s15 =	simm.s32 $0x8900;
	s16 =	simm.s32 $0x9100  }
0x9: {  	s17 =	simm.s32 $0x9900;
	s18 =	simm.s32 $0xA100;
	s19 =	simm.s32 $0xA900  }
0xa: {  	s11 =	simm.s32 $0xB100;
	s5 =	sand.u32 $0x1, s2;
	s2 =	simm.s32 $0x0  }
0xb: {  	s3 =	sshll.u32 s3, $0x8;
	s8 =	sadd.s32 $0x1500, s4;
	s6 =	sshll.u32 s5, $0x7  }
0xc: {  	[smem:$0x7FF] =	sst s2;
	s5 =	ssub.s32 $0x2, s5;
	s6 =	sor.u32 s6, s3  }
0xd: {  	_ =	strace $0x80000047;
	s3 =	sadd.s32 $0x1200, s4;
	s25 =	sshrl.u32 s5, $0x1  }
0xe: {  	[dreg:$0x6] =	wrdreg s26;
	s26 =	simm.s32 $0x2900;
	s7 =	sshrl.u32 s6, $0x3  }
0xf: {  	s24 =	sshll.u32 s6, $0x7;
	s5 =	ssub.s32 s5, s25;
	s6 =	sadd.s32 $0x1300, s4  }
0x10: {  	s25 =	simm.s32 $0x2100;
	s7 =	sadd.s32 s1, s7;
	s1 =	sand.u32 $0x3C000, s24  }
0x11: {  	s9 =	smax.u32 s5, $0x1;
	[dreg:$0x7] =	wrdreg s7;
	s7 =	sadd.s32 $0x8, s7  }
0x12: {  	v2 =	vlaneseq.u32;
	s24 =	simm.s32 $0x1900;
	s0 =	sadd.s32 s0, s1;
	[dreg:$0x4] =	wrdreg s7  }
0x13: {  	vm0 =	vmmov $0xffff;
	v1 =	vshrl.u32 v2, $0x3;
	s5 =	simm.s32 $0x6900;
	[dreg:$0x8] =	wrdreg s0;
	s0 =	sadd.s32 $0x2000, s0  }
0x14: {  	v0 =	vand.u32 $0x7, v2;
	v2 =	vor.u32 $0x8, v2;
	v1 =	vmul.u32 $0x8, v1;
	s7 =	sadd.s32 $0x1400, s4;
	s4 =	simm.s32 $0x6100;
	[dreg:$0x5] =	wrdreg s0  }
.LBB2_1:
0x15: {  	s21 =	rddreg [dreg:$0x7]  }
0x16: {  	[tilespmem:s2], [sflag:$0x2] =	stream.linear.gather [hbm4b:s21+s2], $0x40, $0x38;
	[tilespmem:$0x10100] =	vst v63  }
0x17: {  	_ =	swait.ge [sflag:s10], $0x40  }
0x18: {  	s0 =	rddreg [dreg:$0x4];
	[sflag:s10] =	ssyncset.done $0x0  }
0x19: {  	s22 =	rddreg [dreg:$0x6];
	[sflag:s10] =	ssyncadd.s32 $0xFFFFFFC0  }
0x1a: {  	[tilespmem:s22], [sflag:$0x2] =	stream.linear.gather [hbm4b:s0+s2], $0x40, $0x38;
	[tilespmem:$0x10100] =	vst v63  }
0x1b: {  	_ =	swait.ge [sflag:s10], $0x40  }
0x1c: {  	[sflag:s10] =	ssyncset.done $0x0  }
0x1d: {  	s0 =	simm.s32 $0x100;
	s1 =	rddreg [dreg:$0x8];
	[sflag:s10] =	ssyncadd.s32 $0xFFFFFFC0  }
0x1e: {  	[tilespmem:s0], [sflag:$0x2] =	stream.linear.gather [hbm4b:s1+s2], $0x10000, $0x38;
	[tilespmem:$0x10100] =	vst v63  }
0x1f: {  	_ =	swait.ge [sflag:s10], $0x10000  }
0x20: {  	[sflag:s10] =	ssyncset.done $0x0  }
0x21: {  	[sflag:s10] =	ssyncadd.s32 $0xFFFF0000  }
0x22: {  	v3 =	vld [tilespmem:$0x0];
	_ =	sdelay $0x4  }
0x23: {  	v4 =	vshll.u32 v3, $0x3  }
0x24: {  	v3 =	vand.u32 $0x7, v3;
	v4 =	vand.u32 $0xFFFFFFC0, v4  }
0x25: {  	v3 =	vor.u32 v3, v4  }
0x26: {  	v4 =	vperm.xlane v3, v0;
	_ =	sdelay $0x1  }
0x27: {  	v4 =	vadd.s32 v1, v4;
	_ =	sdelay $0x4  }
0x28: {  	[hbm4b:s3+s2] =	stream.indirect_vreg.scatter [tilespmem:s0], [sflag:$0x1], $0x80, v4, vm0, $0xb8;
	[tilespmem:$0x10100] =	vst v63  }
0x29: {  	s22 =	simm.s32 $0x900;
	v3 =	vperm.xlane v3, v2  }
0x2a: {  	[hbm4b:s6+s2] =	stream.indirect_vreg.scatter [tilespmem:s22], [sflag:$0x1], $0x80, v4, vm0, $0xb8;
	[tilespmem:$0x10100] =	vst v63  }
0x2b: {  	v3 =	vadd.s32 v1, v3  }
0x2c: {  	[hbm4b:s7+s2] =	stream.indirect_vreg.scatter [tilespmem:s23], [sflag:$0x1], $0x80, v4, vm0, $0xb8;
	[tilespmem:$0x10100] =	vst v63  }
0x2d: {  	_ = 	snop  }
0x2e: {  	[hbm4b:s8+s2] =	stream.indirect_vreg.scatter [tilespmem:s24], [sflag:$0x1], $0x80, v4, vm0, $0xb8;
	[tilespmem:$0x10100] =	vst v63  }
0x2f: {  	_ = 	snop  }
0x30: {  	[hbm4b:s3+s2] =	stream.indirect_vreg.scatter [tilespmem:s25], [sflag:$0x1], $0x80, v3, vm0, $0xb8;
	[tilespmem:$0x10100] =	vst v63  }
0x31: {  	_ = 	snop  }
0x32: {  	[hbm4b:s6+s2] =	stream.indirect_vreg.scatter [tilespmem:s26], [sflag:$0x1], $0x80, v3, vm0, $0xb8;
	[tilespmem:$0x10100] =	vst v63  }
0x33: {  	_ = 	snop  }
0x34: {  	[hbm4b:s7+s2] =	stream.indirect_vreg.scatter [tilespmem:s28], [sflag:$0x1], $0x80, v3, vm0, $0xb8;
	[tilespmem:$0x10100] =	vst v63  }
0x35: {  	_ = 	snop  }
0x36: {  	[hbm4b:s8+s2] =	stream.indirect_vreg.scatter [tilespmem:s29], [sflag:$0x1], $0x80, v3, vm0, $0xb8;
	[tilespmem:$0x10100] =	vst v63  }
0x37: {  	v3 =	vld [tilespmem:$0x10];
	_ =	sdelay $0x4  }
0x38: {  	v57 =	vshll.u32 v3, $0x3  }
0x39: {  	v3 =	vand.u32 $0x7, v3;
	v4 =	vand.u32 $0xFFFFFFC0, v57  }
0x3a: {  	v3 =	vor.u32 v3, v4  }
0x3b: {  	v4 =	vperm.xlane v3, v0;
	_ =	sdelay $0x1  }
0x3c: {  	v4 =	vadd.s32 v1, v4;
	_ =	sdelay $0x4  }
0x3d: {  	[hbm4b:s3+s2] =	stream.indirect_vreg.scatter [tilespmem:s30], [sflag:$0x1], $0x80, v4, vm0, $0xb8;
	[tilespmem:$0x10100] =	vst v63  }
0x3e: {  	v3 =	vperm.xlane v3, v2  }
0x3f: {  	[hbm4b:s6+s2] =	stream.indirect_vreg.scatter [tilespmem:s31], [sflag:$0x1], $0x80, v4, vm0, $0xb8;
	[tilespmem:$0x10100] =	vst v63  }
0x40: {  	s1 =	simm.s32 $0x5100;
	v3 =	vadd.s32 v1, v3  }
0x41: {  	[hbm4b:s7+s2] =	stream.indirect_vreg.scatter [tilespmem:s1], [sflag:$0x1], $0x80, v4, vm0, $0xb8;
	[tilespmem:$0x10100] =	vst v63  }
0x42: {  	s1 =	simm.s32 $0x5900  }
0x43: {  	[hbm4b:s8+s2] =	stream.indirect_vreg.scatter [tilespmem:s1], [sflag:$0x1], $0x80, v4, vm0, $0xb8;
	[tilespmem:$0x10100] =	vst v63  }
0x44: {  	_ = 	snop  }
0x45: {  	[hbm4b:s3+s2] =	stream.indirect_vreg.scatter [tilespmem:s4], [sflag:$0x1], $0x80, v3, vm0, $0xb8;
	[tilespmem:$0x10100] =	vst v63  }
0x46: {  	_ = 	snop  }
0x47: {  	[hbm4b:s6+s2] =	stream.indirect_vreg.scatter [tilespmem:s5], [sflag:$0x1], $0x80, v3, vm0, $0xb8;
	[tilespmem:$0x10100] =	vst v63  }
0x48: {  	_ = 	snop  }
0x49: {  	[hbm4b:s7+s2] =	stream.indirect_vreg.scatter [tilespmem:s12], [sflag:$0x1], $0x80, v3, vm0, $0xb8;
	[tilespmem:$0x10100] =	vst v63  }
0x4a: {  	_ = 	snop  }
0x4b: {  	[hbm4b:s8+s2] =	stream.indirect_vreg.scatter [tilespmem:s13], [sflag:$0x1], $0x80, v3, vm0, $0xb8;
	[tilespmem:$0x10100] =	vst v63  }
0x4c: {  	v3 =	vld [tilespmem:$0x20];
	_ =	sdelay $0x4  }
0x4d: {  	v58 =	vshll.u32 v3, $0x3  }
0x4e: {  	v3 =	vand.u32 $0x7, v3;
	v4 =	vand.u32 $0xFFFFFFC0, v58  }
0x4f: {  	v3 =	vor.u32 v3, v4  }
0x50: {  	v4 =	vperm.xlane v3, v0;
	_ =	sdelay $0x1  }
0x51: {  	v4 =	vadd.s32 v1, v4;
	_ =	sdelay $0x4  }
0x52: {  	[hbm4b:s3+s2] =	stream.indirect_vreg.scatter [tilespmem:s14], [sflag:$0x1], $0x80, v4, vm0, $0xb8;
	[tilespmem:$0x10100] =	vst v63  }
0x53: {  	v3 =	vperm.xlane v3, v2  }
0x54: {  	[hbm4b:s6+s2] =	stream.indirect_vreg.scatter [tilespmem:s15], [sflag:$0x1], $0x80, v4, vm0, $0xb8;
	[tilespmem:$0x10100] =	vst v63  }
0x55: {  	v3 =	vadd.s32 v1, v3  }
0x56: {  	[hbm4b:s7+s2] =	stream.indirect_vreg.scatter [tilespmem:s16], [sflag:$0x1], $0x80, v4, vm0, $0xb8;
	[tilespmem:$0x10100] =	vst v63  }
0x57: {  	_ = 	snop  }
0x58: {  	[hbm4b:s8+s2] =	stream.indirect_vreg.scatter [tilespmem:s17], [sflag:$0x1], $0x80, v4, vm0, $0xb8;
	[tilespmem:$0x10100] =	vst v63  }
0x59: {  	_ = 	snop  }
0x5a: {  	[hbm4b:s3+s2] =	stream.indirect_vreg.scatter [tilespmem:s18], [sflag:$0x1], $0x80, v3, vm0, $0xb8;
	[tilespmem:$0x10100] =	vst v63  }
0x5b: {  	_ = 	snop  }
0x5c: {  	[hbm4b:s6+s2] =	stream.indirect_vreg.scatter [tilespmem:s19], [sflag:$0x1], $0x80, v3, vm0, $0xb8;
	[tilespmem:$0x10100] =	vst v63  }
0x5d: {  	_ = 	snop  }
0x5e: {  	[hbm4b:s7+s2] =	stream.indirect_vreg.scatter [tilespmem:s11], [sflag:$0x1], $0x80, v3, vm0, $0xb8;
	[tilespmem:$0x10100] =	vst v63  }
0x5f: {  	s21 =	simm.s32 $0xB900  }
0x60: {  	[hbm4b:s8+s2] =	stream.indirect_vreg.scatter [tilespmem:s21], [sflag:$0x1], $0x80, v3, vm0, $0xb8;
	[tilespmem:$0x10100] =	vst v63  }
0x61: {  	v3 =	vld [tilespmem:$0x30];
	_ =	sdelay $0x4  }
0x62: {  	v59 =	vshll.u32 v3, $0x3  }
0x63: {  	v3 =	vand.u32 $0x7, v3;
	v4 =	vand.u32 $0xFFFFFFC0, v59  }
0x64: {  	v3 =	vor.u32 v3, v4  }
0x65: {  	v4 =	vperm.xlane v3, v0;
	_ =	sdelay $0x1  }
0x66: {  	v4 =	vadd.s32 v1, v4;
	_ =	sdelay $0x3  }
0x67: {  	s21 =	simm.s32 $0xC100  }
0x68: {  	[hbm4b:s3+s2] =	stream.indirect_vreg.scatter [tilespmem:s21], [sflag:$0x1], $0x80, v4, vm0, $0xb8;
	[tilespmem:$0x10100] =	vst v63  }
0x69: {  	v3 =	vperm.xlane v3, v2;
	s21 =	simm.s32 $0xC900  }
0x6a: {  	[hbm4b:s6+s2] =	stream.indirect_vreg.scatter [tilespmem:s21], [sflag:$0x1], $0x80, v4, vm0, $0xb8;
	[tilespmem:$0x10100] =	vst v63  }
0x6b: {  	v3 =	vadd.s32 v1, v3;
	s21 =	simm.s32 $0xD100  }
0x6c: {  	[hbm4b:s7+s2] =	stream.indirect_vreg.scatter [tilespmem:s21], [sflag:$0x1], $0x80, v4, vm0, $0xb8;
	[tilespmem:$0x10100] =	vst v63  }
0x6d: {  	s21 =	simm.s32 $0xD900  }
0x6e: {  	[hbm4b:s8+s2] =	stream.indirect_vreg.scatter [tilespmem:s21], [sflag:$0x1], $0x80, v4, vm0, $0xb8;
	[tilespmem:$0x10100] =	vst v63  }
0x6f: {  	s21 =	simm.s32 $0xE100  }
0x70: {  	[hbm4b:s3+s2] =	stream.indirect_vreg.scatter [tilespmem:s21], [sflag:$0x1], $0x80, v3, vm0, $0xb8;
	[tilespmem:$0x10100] =	vst v63  }
0x71: {  	s21 =	simm.s32 $0xE900  }
0x72: {  	[hbm4b:s6+s2] =	stream.indirect_vreg.scatter [tilespmem:s21], [sflag:$0x1], $0x80, v3, vm0, $0xb8;
	[tilespmem:$0x10100] =	vst v63  }
0x73: {  	s21 =	simm.s32 $0xF100  }
0x74: {  	[hbm4b:s7+s2] =	stream.indirect_vreg.scatter [tilespmem:s21], [sflag:$0x1], $0x80, v3, vm0, $0xb8;
	[tilespmem:$0x10100] =	vst v63  }
0x75: {  	s21 =	simm.s32 $0xF900  }
0x76: {  	[hbm4b:s8+s2] =	stream.indirect_vreg.scatter [tilespmem:s21], [sflag:$0x1], $0x80, v3, vm0, $0xb8;
	[tilespmem:$0x10100] =	vst v63  }
0x77: {  	_ =	swait.ge [sflag:s20], $0x10000  }
0x78: {  	[sflag:s20] =	ssyncset.done $0x0  }
0x79: {  	s21 =	rddreg [dreg:$0x5];
	[sflag:s20] =	ssyncadd.s32 $0xFFFF0000  }
0x7a: {  	[tilespmem:s0], [sflag:$0x2] =	stream.linear.gather [hbm4b:s21+s2], $0x10000, $0x38;
	[tilespmem:$0x10100] =	vst v63  }
0x7b: {  	_ =	swait.ge [sflag:s10], $0x10000  }
0x7c: {  	[sflag:s10] =	ssyncset.done $0x0  }
0x7d: {  	[sflag:s10] =	ssyncadd.s32 $0xFFFF0000  }
0x7e: {  	v3 =	vld [tilespmem:$0x80];
	_ =	sdelay $0x4  }
0x7f: {  	v60 =	vshll.u32 v3, $0x3  }
0x80: {  	v3 =	vand.u32 $0x7, v3;
	v4 =	vand.u32 $0xFFFFFFC0, v60  }
0x81: {  	v3 =	vor.u32 v3, v4  }
0x82: {  	v4 =	vperm.xlane v3, v0;
	_ =	sdelay $0x1  }
0x83: {  	v4 =	vadd.s32 v1, v4;
	_ =	sdelay $0x4  }
0x84: {  	[hbm4b:s3+s2] =	stream.indirect_vreg.scatter [tilespmem:s0], [sflag:$0x1], $0x80, v4, vm0, $0xb8;
	[tilespmem:$0x10100] =	vst v63  }
0x85: {  	v3 =	vperm.xlane v3, v2  }
0x86: {  	[hbm4b:s6+s2] =	stream.indirect_vreg.scatter [tilespmem:s22], [sflag:$0x1], $0x80, v4, vm0, $0xb8;
	[tilespmem:$0x10100] =	vst v63  }
0x87: {  	v3 =	vadd.s32 v1, v3  }
0x88: {  	[hbm4b:s7+s2] =	stream.indirect_vreg.scatter [tilespmem:s23], [sflag:$0x1], $0x80, v4, vm0, $0xb8;
	[tilespmem:$0x10100] =	vst v63  }
0x89: {  	_ = 	snop  }
0x8a: {  	[hbm4b:s8+s2] =	stream.indirect_vreg.scatter [tilespmem:s24], [sflag:$0x1], $0x80, v4, vm0, $0xb8;
	[tilespmem:$0x10100] =	vst v63  }
0x8b: {  	_ = 	snop  }
0x8c: {  	[hbm4b:s3+s2] =	stream.indirect_vreg.scatter [tilespmem:s25], [sflag:$0x1], $0x80, v3, vm0, $0xb8;
	[tilespmem:$0x10100] =	vst v63  }
0x8d: {  	_ = 	snop  }
0x8e: {  	[hbm4b:s6+s2] =	stream.indirect_vreg.scatter [tilespmem:s26], [sflag:$0x1], $0x80, v3, vm0, $0xb8;
	[tilespmem:$0x10100] =	vst v63  }
0x8f: {  	_ = 	snop  }
0x90: {  	[hbm4b:s7+s2] =	stream.indirect_vreg.scatter [tilespmem:s28], [sflag:$0x1], $0x80, v3, vm0, $0xb8;
	[tilespmem:$0x10100] =	vst v63  }
0x91: {  	_ = 	snop  }
0x92: {  	[hbm4b:s8+s2] =	stream.indirect_vreg.scatter [tilespmem:s29], [sflag:$0x1], $0x80, v3, vm0, $0xb8;
	[tilespmem:$0x10100] =	vst v63  }
0x93: {  	v3 =	vld [tilespmem:$0x90];
	_ =	sdelay $0x4  }
0x94: {  	v61 =	vshll.u32 v3, $0x3  }
0x95: {  	v3 =	vand.u32 $0x7, v3;
	v4 =	vand.u32 $0xFFFFFFC0, v61  }
0x96: {  	v3 =	vor.u32 v3, v4  }
0x97: {  	v4 =	vperm.xlane v3, v0;
	_ =	sdelay $0x1  }
0x98: {  	v4 =	vadd.s32 v1, v4;
	_ =	sdelay $0x4  }
0x99: {  	[hbm4b:s3+s2] =	stream.indirect_vreg.scatter [tilespmem:s30], [sflag:$0x1], $0x80, v4, vm0, $0xb8;
	[tilespmem:$0x10100] =	vst v63  }
0x9a: {  	v3 =	vperm.xlane v3, v2  }
0x9b: {  	[hbm4b:s6+s2] =	stream.indirect_vreg.scatter [tilespmem:s31], [sflag:$0x1], $0x80, v4, vm0, $0xb8;
	[tilespmem:$0x10100] =	vst v63  }
0x9c: {  	s22 =	simm.s32 $0x5100;
	v3 =	vadd.s32 v1, v3  }
0x9d: {  	[hbm4b:s7+s2] =	stream.indirect_vreg.scatter [tilespmem:s22], [sflag:$0x1], $0x80, v4, vm0, $0xb8;
	[tilespmem:$0x10100] =	vst v63  }
0x9e: {  	_ = 	snop  }
0x9f: {  	[hbm4b:s8+s2] =	stream.indirect_vreg.scatter [tilespmem:s1], [sflag:$0x1], $0x80, v4, vm0, $0xb8;
	[tilespmem:$0x10100] =	vst v63  }
0xa0: {  	_ = 	snop  }
0xa1: {  	[hbm4b:s3+s2] =	stream.indirect_vreg.scatter [tilespmem:s4], [sflag:$0x1], $0x80, v3, vm0, $0xb8;
	[tilespmem:$0x10100] =	vst v63  }
0xa2: {  	_ = 	snop  }
0xa3: {  	[hbm4b:s6+s2] =	stream.indirect_vreg.scatter [tilespmem:s5], [sflag:$0x1], $0x80, v3, vm0, $0xb8;
	[tilespmem:$0x10100] =	vst v63  }
0xa4: {  	_ = 	snop  }
0xa5: {  	[hbm4b:s7+s2] =	stream.indirect_vreg.scatter [tilespmem:s12], [sflag:$0x1], $0x80, v3, vm0, $0xb8;
	[tilespmem:$0x10100] =	vst v63  }
0xa6: {  	_ = 	snop  }
0xa7: {  	[hbm4b:s8+s2] =	stream.indirect_vreg.scatter [tilespmem:s13], [sflag:$0x1], $0x80, v3, vm0, $0xb8;
	[tilespmem:$0x10100] =	vst v63  }
0xa8: {  	v3 =	vld [tilespmem:$0xA0];
	_ =	sdelay $0x4  }
0xa9: {  	v62 =	vshll.u32 v3, $0x3  }
0xaa: {  	v3 =	vand.u32 $0x7, v3;
	v4 =	vand.u32 $0xFFFFFFC0, v62  }
0xab: {  	v3 =	vor.u32 v3, v4  }
0xac: {  	v4 =	vperm.xlane v3, v0;
	_ =	sdelay $0x1  }
0xad: {  	v4 =	vadd.s32 v1, v4;
	_ =	sdelay $0x4  }
0xae: {  	[hbm4b:s3+s2] =	stream.indirect_vreg.scatter [tilespmem:s14], [sflag:$0x1], $0x80, v4, vm0, $0xb8;
	[tilespmem:$0x10100] =	vst v63  }
0xaf: {  	v3 =	vperm.xlane v3, v2  }
0xb0: {  	[hbm4b:s6+s2] =	stream.indirect_vreg.scatter [tilespmem:s15], [sflag:$0x1], $0x80, v4, vm0, $0xb8;
	[tilespmem:$0x10100] =	vst v63  }
0xb1: {  	v3 =	vadd.s32 v1, v3  }
0xb2: {  	[hbm4b:s7+s2] =	stream.indirect_vreg.scatter [tilespmem:s16], [sflag:$0x1], $0x80, v4, vm0, $0xb8;
	[tilespmem:$0x10100] =	vst v63  }
0xb3: {  	_ = 	snop  }
0xb4: {  	[hbm4b:s8+s2] =	stream.indirect_vreg.scatter [tilespmem:s17], [sflag:$0x1], $0x80, v4, vm0, $0xb8;
	[tilespmem:$0x10100] =	vst v63  }
0xb5: {  	_ = 	snop  }
0xb6: {  	[hbm4b:s3+s2] =	stream.indirect_vreg.scatter [tilespmem:s18], [sflag:$0x1], $0x80, v3, vm0, $0xb8;
	[tilespmem:$0x10100] =	vst v63  }
0xb7: {  	_ = 	snop  }
0xb8: {  	[hbm4b:s6+s2] =	stream.indirect_vreg.scatter [tilespmem:s19], [sflag:$0x1], $0x80, v3, vm0, $0xb8;
	[tilespmem:$0x10100] =	vst v63  }
0xb9: {  	_ = 	snop  }
0xba: {  	[hbm4b:s7+s2] =	stream.indirect_vreg.scatter [tilespmem:s11], [sflag:$0x1], $0x80, v3, vm0, $0xb8;
	[tilespmem:$0x10100] =	vst v63  }
0xbb: {  	s1 =	simm.s32 $0xB900  }
0xbc: {  	[hbm4b:s8+s2] =	stream.indirect_vreg.scatter [tilespmem:s1], [sflag:$0x1], $0x80, v3, vm0, $0xb8;
	[tilespmem:$0x10100] =	vst v63  }
0xbd: {  	v3 =	vld [tilespmem:$0xB0];
	_ =	sdelay $0x4  }
0xbe: {  	v63 =	vshll.u32 v3, $0x3  }
0xbf: {  	v3 =	vand.u32 $0x7, v3;
	v4 =	vand.u32 $0xFFFFFFC0, v63  }
0xc0: {  	v3 =	vor.u32 v3, v4  }
0xc1: {  	v4 =	vperm.xlane v3, v0;
	_ =	sdelay $0x1  }
0xc2: {  	v4 =	vadd.s32 v1, v4;
	_ =	sdelay $0x3  }
0xc3: {  	s21 =	simm.s32 $0xC100  }
0xc4: {  	[hbm4b:s3+s2] =	stream.indirect_vreg.scatter [tilespmem:s21], [sflag:$0x1], $0x80, v4, vm0, $0xb8;
	[tilespmem:$0x10100] =	vst v63  }
0xc5: {  	s22 =	simm.s32 $0xC900;
	v3 =	vperm.xlane v3, v2  }
0xc6: {  	[hbm4b:s6+s2] =	stream.indirect_vreg.scatter [tilespmem:s22], [sflag:$0x1], $0x80, v4, vm0, $0xb8;
	[tilespmem:$0x10100] =	vst v63  }
0xc7: {  	s1 =	simm.s32 $0xD100;
	v3 =	vadd.s32 v1, v3  }
0xc8: {  	[hbm4b:s7+s2] =	stream.indirect_vreg.scatter [tilespmem:s1], [sflag:$0x1], $0x80, v4, vm0, $0xb8;
	[tilespmem:$0x10100] =	vst v63  }
0xc9: {  	s21 =	simm.s32 $0xD900  }
0xca: {  	[hbm4b:s8+s2] =	stream.indirect_vreg.scatter [tilespmem:s21], [sflag:$0x1], $0x80, v4, vm0, $0xb8;
	[tilespmem:$0x10100] =	vst v63  }
0xcb: {  	s22 =	simm.s32 $0xE100  }
0xcc: {  	[hbm4b:s3+s2] =	stream.indirect_vreg.scatter [tilespmem:s22], [sflag:$0x1], $0x80, v3, vm0, $0xb8;
	[tilespmem:$0x10100] =	vst v63  }
0xcd: {  	s1 =	simm.s32 $0xE900  }
0xce: {  	[hbm4b:s6+s2] =	stream.indirect_vreg.scatter [tilespmem:s1], [sflag:$0x1], $0x80, v3, vm0, $0xb8;
	[tilespmem:$0x10100] =	vst v63  }
0xcf: {  	p0 =	sne.s32 s9, $0x1;
	s21 =	simm.s32 $0xF100  }
0xd0: {  	[hbm4b:s7+s2] =	stream.indirect_vreg.scatter [tilespmem:s21], [sflag:$0x1], $0x80, v3, vm0, $0xb8;
	[tilespmem:$0x10100] =	vst v63  }
.Ltmp0:
0xd1: {  	s22 =	simm.s32 $0xF900;
	(pc) =	sbr.rel @p0 .LBB2_1-.Ltmp0, $4  }
0xd2: {  	[hbm4b:s8+s2] =	stream.indirect_vreg.scatter [tilespmem:s22], [sflag:$0x1], $0x80, v3, vm0, $0xb8;
	[tilespmem:$0x10100] =	vst v63  }
0xd3: {  	_ =	swait.ge [sflag:s20], $0x10000  }
0xd4: {  	[sflag:s20] =	ssyncset.done $0x0  }
0xd5: {  	s9 =	sadd.s32 $0xFFFFFFFF, s9;
	[sflag:s20] =	ssyncadd.s32 $0xFFFF0000  }
0xd6: {  	_ =	sfence.sel $0x180000  }
0xd7: {  	[bflag:$0x0] =	sbarrier.arrive $0xFFFF  }
0xd8: {  	_ =	strace $0x90000047  }
0xd9: {  	s0 =	stileid.u32;
	[bflag:$0x2] =	sbarrier.arrive $0xFFFF  }
0xda: {  	p0 =	sne.s32 s0, $0x0;
	s0 =	rddreg [dreg:$0x3]  }
0xdb: {  	s0 =	sadd.s32 @!p0 $0x100000, s0  }
0xdc: {  	[sflag:s0] =	ssyncadd.tile.s32 @!p0 $0x1;
	_ =	shalt  }
.Lfunc_end2:
_tile_overlayer_lowered:
.L_overlay_start_2:
0xdd: {  	(tag) =	ssettag $0x2  }
0xde: {  	s0 =	rddreg [dreg:$0x0];
	s2 =	stileid.u32  }
0xdf: {  	s1 =	rddreg [dreg:$0x1];
	p0 =	sne.s32 s2, $0x0  }
0xe0: {  	s3 =	rddreg [dreg:$0x2];
	[bflag:$0x3] =	sbarrier.arrive $0xFFFF;
	s2 =	simm.s32 @!p0 $0x1C02  }
0xe1: {  	[timem:s3], [sflag:s2] =	dma.local @!p0 [hbm:s0], s1  }
0xe2: {  	s0 =	simm.s32 @!p0 $0x2  }
0xe3: {  	_ =	swait.ge @!p0 [sflag:s0], s1  }
0xe4: {  	s1 =	ssub.s32 @!p0 $0x0, s1;
	[sflag:s0] =	ssyncset.done @!p0 $0x0  }
0xe5: {  	[sflag:s0] =	ssyncadd.s32 @!p0 s1  }
0xe6: {  	[bflag:$0x3] =	sbarrier.arrive $0xFFFF  }
0xe7: {  	_ =	shalt  }

</sc_bundles>
